<compile_context>
chip_gen: v7x
topology: tpu7x:2x2x1
jax: 0.10.2.dev20260603
libtpu: 0.0.44.dev20260713+nightly
codegen_flags: <defaults>
</compile_context>

<pallas_src>
import jax
import jax.numpy as jnp
from jax import lax
from jax.experimental import pallas as pl
from jax.experimental.pallas import tpu as pltpu
from jax.experimental.pallas import tpu_sc as plsc

BETA = 0.1
BINS = 600
BINS_PAD = 602
N_ELEMS = 32 * 192 * 56 * 56
D = 192
R_TOTAL = N_ELEMS // D
NC, NS = 2, 16
NW = NC * NS
RW = R_TOTAL // NW
CR = 56
NCH = RW // CR
KV = D // 16
NBUF = 2

MM_BLK = 3584
MM_GRID = R_TOTAL // MM_BLK


def _minmax_body(x_ref, s_ref, par_ref, w_ref, mm_ref):
    i = pl.program_id(0)
    xv = x_ref[...]
    w_ref[...] = jnp.exp(jnp.abs(xv) * BETA) * jnp.abs(s_ref[...] - xv)
    m = jnp.min(xv)
    mx = jnp.max(xv)

    @pl.when(i == 0)
    def _():
        mm_ref[0, 0] = m
        mm_ref[1, 0] = mx

    @pl.when(i > 0)
    def _():
        mm_ref[0, 0] = jnp.minimum(mm_ref[0, 0], m)
        mm_ref[1, 0] = jnp.maximum(mm_ref[1, 0], mx)

    @pl.when(i == MM_GRID - 1)
    def _():
        dmin = mm_ref[0, 0]
        dmax = mm_ref[1, 0]
        inv16 = (16 * BINS) / (dmax - dmin)
        par_ref[0, :] = jnp.full((16,), -dmin * inv16, jnp.float32)
        par_ref[1, :] = jnp.full((16,), inv16, jnp.float32)


_minmax = pl.pallas_call(
    _minmax_body,
    grid=(MM_GRID,),
    in_specs=[
        pl.BlockSpec((MM_BLK, D), lambda i: (i, 0)),
        pl.BlockSpec((MM_BLK, D), lambda i: (i, 0)),
    ],
    out_specs=[
        pl.BlockSpec((2, 16), lambda i: (0, 0)),
        pl.BlockSpec((MM_BLK, D), lambda i: (i, 0)),
    ],
    out_shape=[
        jax.ShapeDtypeStruct((2, 16), jnp.float32),
        jax.ShapeDtypeStruct((R_TOTAL, D), jnp.float32),
    ],
    scratch_shapes=[pltpu.SMEM((2, 1), jnp.float32)],
)


def _sc_hist_body(t_hbm, s_hbm, par_hbm, zeros_hbm,
                  counts_hbm, p_hbm,
                  t_buf0, t_buf1, s_buf0, s_buf1,
                  par_buf, counts_tbl, p_tbl, sem0, sem1):
    t_bufs = (t_buf0, t_buf1)
    s_bufs = (s_buf0, s_buf1)
    sems = (sem0, sem1)
    wid = lax.axis_index("s") * NC + lax.axis_index("c")
    base = wid * NCH

    pltpu.sync_copy(par_hbm, par_buf)
    pltpu.sync_copy(zeros_hbm, counts_tbl)
    pltpu.sync_copy(zeros_hbm, p_tbl)

    ndmi_v = par_buf[0, :]
    inv_v = par_buf[1, :]
    lane = lax.iota(jnp.int32, 16)
    ones = jnp.ones((16,), jnp.float32)
    himask = jnp.full((16,), ~15, jnp.int32)

    def start(c, b):
        slab = base + c
        pltpu.async_copy(t_hbm.at[slab], t_bufs[b], sems[b])
        pltpu.async_copy(s_hbm.at[slab], s_bufs[b], sems[b])

    def wait(b):
        pltpu.make_async_copy(t_hbm.at[0], t_bufs[b], sems[b]).wait()
        pltpu.make_async_copy(s_hbm.at[0], s_bufs[b], sems[b]).wait()

    for b in range(NBUF):
        start(b, b)

    n_outer = -(-NCH // NBUF)

    def outer(c2, carry):
        for b in range(NBUF):
            c = c2 * NBUF + b

            @pl.when(c < NCH)
            def _():
                wait(b)
                tb = t_bufs[b]
                sb = s_bufs[b]

                @plsc.parallel_loop(0, CR, unroll=1)
                def row_body(r):
                    for k in range(KV):
                        tv = tb[r, pl.ds(k * 16, 16)]
                        sv = sb[r, pl.ds(k * 16, 16)]
                        x = tv * inv_v + ndmi_v
                        idx16 = x.astype(jnp.int32)
                        slot = (idx16 & himask) | lane
                        plsc.addupdate_scatter(counts_tbl, [slot], ones)
                        plsc.addupdate_scatter(p_tbl, [slot], sv)

                @pl.when(c + NBUF < NCH)
                def _():
                    start(c + NBUF, b)
        return carry

    lax.fori_loop(0, n_outer, outer, 0, unroll=False)

    pltpu.sync_copy(counts_tbl, counts_hbm.at[wid])
    pltpu.sync_copy(p_tbl, p_hbm.at[wid])


_sc_hist = pl.kernel(
    _sc_hist_body,
    out_type=[
        jax.ShapeDtypeStruct((NW, BINS_PAD * 16), jnp.float32),
        jax.ShapeDtypeStruct((NW, BINS_PAD * 16), jnp.float32),
    ],
    mesh=plsc.VectorSubcoreMesh(core_axis_name="c", subcore_axis_name="s"),
    compiler_params=pltpu.CompilerParams(needs_layout_passes=False),
    scratch_types=(
        [pltpu.VMEM((CR, D), jnp.float32)] * (2 * NBUF)
        + [
            pltpu.VMEM((2, 16), jnp.float32),
            pltpu.VMEM((BINS_PAD * 16,), jnp.float32),
            pltpu.VMEM((BINS_PAD * 16,), jnp.float32),
        ]
        + [pltpu.SemaphoreType.DMA] * NBUF
    ),
)


def _combine_body(counts_ref, p_ref, out_ref):
    cf = jnp.sum(jnp.sum(counts_ref[...], axis=0), axis=1)
    pf = jnp.sum(jnp.sum(p_ref[...], axis=0), axis=1)
    last = jnp.arange(BINS, dtype=jnp.int32) == BINS - 1
    c = cf[:BINS] + jnp.where(last, cf[BINS] + cf[BINS + 1], 0.0)
    p = pf[:BINS] + jnp.where(last, pf[BINS] + pf[BINS + 1], 0.0)
    s = jnp.sum(c * c)
    w = jnp.exp(c / s)
    out_ref[0, 0] = jnp.sum(w * p) / jnp.float32(N_ELEMS)


_combine = pl.pallas_call(
    _combine_body,
    out_specs=pl.BlockSpec(memory_space=pltpu.SMEM),
    out_shape=jax.ShapeDtypeStruct((1, 1), jnp.float32),
)


def kernel(feat_student, feat_teacher):
    t = feat_teacher.transpose(0, 2, 3, 1).reshape(R_TOTAL, D)
    s = feat_student.transpose(0, 2, 3, 1).reshape(R_TOTAL, D)

    par, w = _minmax(t, s)
    zeros = jnp.zeros((BINS_PAD * 16,), jnp.float32)

    counts_p, p_p = _sc_hist(t.reshape(NW * NCH, CR, D),
                             w.reshape(NW * NCH, CR, D), par, zeros)
    loss = _combine(counts_p.reshape(NW, BINS_PAD, 16),
                    p_p.reshape(NW, BINS_PAD, 16))
    return loss.reshape(())

# --- scband reference (transcript-rebuilt; emitter-appended) ---
"""Pipeline reference for scband-feature-loss-v1-45423574123232 (READ-ONLY COPY).

The authoritative reference and input builder live on the scoring server;
editing this copy changes nothing except your own understanding.
"""

import jax, jax.numpy as jnp
import numpy as np

BETA = 0.1
LOSS_WEIGHT = 1.0
BINS = 600


def setup_inputs(seed: int = 0) -> dict:
    key = jax.random.key(seed)
    k1, k2 = jax.random.split(key)
    shape = (32, 192, 56, 56)
    feat_student = jax.random.normal(k1, shape, dtype=jnp.float32)
    feat_teacher = jax.random.normal(k2, shape, dtype=jnp.float32)
    return {"feat_student": feat_student, "feat_teacher": feat_teacher}


def _dist(data, bins=BINS):
    dmin = data.min()
    dmax = data.max()
    bin_size = (dmax - dmin) / bins
    # torch histc over [min, max] with `bins` bins; counts are detached in the original
    counts, _ = jnp.histogram(jax.lax.stop_gradient(data), bins=bins,
                              range=(float('nan'), float('nan')) if False else None)
    hisc = counts.astype(jnp.float32) / data.size
    xbin_idx = jnp.clip(jnp.floor((data - dmin) / bin_size), 0, bins - 1).astype(jnp.int32)
    res = hisc[xbin_idx]
    res = res / res.sum()
    return res


def reference(feat_student, feat_teacher):
    d = _dist(feat_teacher)
    feat_loss_weight = LOSS_WEIGHT * jnp.exp(jnp.abs(feat_teacher) * BETA + d)
    feat_loss = jnp.abs(feat_loss_weight * (feat_student - feat_teacher)).mean()
    return feat_loss

if __name__ == "__main__":
    import jax
    _d = setup_inputs()
    print(jax.jit(kernel)(*tuple(_d.values())))

</pallas_src>

<mosaic_0001>
#map = affine_map<(d0, d1) -> (0, 0, 0)>
#map1 = affine_map<(d0, d1) -> (0, 0)>
#map2 = affine_map<(d0, d1) -> (0)>
module attributes {stable_mosaic.version = 14 : i64} {
  func.func @_sc_hist_body(%arg0: i32, %arg1: i32, %arg2: memref<1792x56x192xf32, #tpu.memory_space<hbm>>, %arg3: memref<1792x56x192xf32, #tpu.memory_space<hbm>>, %arg4: memref<2x16xf32, #tpu.memory_space<hbm>>, %arg5: memref<9632xf32, #tpu.memory_space<hbm>>, %arg6: memref<32x9632xf32, #tpu.memory_space<hbm>>, %arg7: memref<32x9632xf32, #tpu.memory_space<hbm>>, %arg8: memref<56x192xf32, #tpu.memory_space<vmem>>, %arg9: memref<56x192xf32, #tpu.memory_space<vmem>>, %arg10: memref<56x192xf32, #tpu.memory_space<vmem>>, %arg11: memref<56x192xf32, #tpu.memory_space<vmem>>, %arg12: memref<2x16xf32, #tpu.memory_space<vmem>>, %arg13: memref<9632xf32, #tpu.memory_space<vmem>>, %arg14: memref<9632xf32, #tpu.memory_space<vmem>>, %arg15: memref<!tpu.dma_semaphore, #tpu.memory_space<semaphore_mem>>, %arg16: memref<!tpu.dma_semaphore, #tpu.memory_space<semaphore_mem>>) attributes {dimension_semantics = [#tpu.dimension_semantics<core_parallel>, #tpu.dimension_semantics<subcore_parallel>], iteration_bounds = array<i64: 2, 16>, scalar_prefetch = 0 : i64, scratch_operands = 9 : i64, tpu.core_type = #tpu.core_type<sc_vector_subcore>, window_params = [{transform_indices = #map}, {transform_indices = #map}, {transform_indices = #map1}, {transform_indices = #map2}, {transform_indices = #map1}, {transform_indices = #map1}]} {
    %mul3A = arith.constant 2 : i32
    %mul3A_0 = arith.muli %arg1, %mul3A : i32
    %add3A = arith.addi %mul3A_0, %arg0 : i32
    %mul3A_1 = arith.constant 56 : i32
    %mul3A_2 = arith.muli %add3A, %mul3A_1 : i32
    "tpu.region"() ({
      %run_scoped3A = tpu.sem_alloc : memref<!tpu.dma_semaphore, #tpu.memory_space<semaphore_mem>>
      tpu.enqueue_dma source(%arg4 : memref<2x16xf32, #tpu.memory_space<hbm>>) target(%arg12 : memref<2x16xf32, #tpu.memory_space<vmem>>) target_semaphore(%run_scoped3A : memref<!tpu.dma_semaphore, #tpu.memory_space<semaphore_mem>>)
      tpu.wait_dma2 semaphore(%run_scoped3A : memref<!tpu.dma_semaphore, #tpu.memory_space<semaphore_mem>>) src(%arg4 : memref<2x16xf32, #tpu.memory_space<hbm>>) dst(%arg12 : memref<2x16xf32, #tpu.memory_space<vmem>>)
      tpu.yield
    }) : () -> ()
    "tpu.region"() ({
      %run_scoped3A = tpu.sem_alloc : memref<!tpu.dma_semaphore, #tpu.memory_space<semaphore_mem>>
      tpu.enqueue_dma source(%arg5 : memref<9632xf32, #tpu.memory_space<hbm>>) target(%arg13 : memref<9632xf32, #tpu.memory_space<vmem>>) target_semaphore(%run_scoped3A : memref<!tpu.dma_semaphore, #tpu.memory_space<semaphore_mem>>)
      tpu.wait_dma2 semaphore(%run_scoped3A : memref<!tpu.dma_semaphore, #tpu.memory_space<semaphore_mem>>) src(%arg5 : memref<9632xf32, #tpu.memory_space<hbm>>) dst(%arg13 : memref<9632xf32, #tpu.memory_space<vmem>>)
      tpu.yield
    }) : () -> ()
    "tpu.region"() ({
      %run_scoped3A = tpu.sem_alloc : memref<!tpu.dma_semaphore, #tpu.memory_space<semaphore_mem>>
      tpu.enqueue_dma source(%arg5 : memref<9632xf32, #tpu.memory_space<hbm>>) target(%arg14 : memref<9632xf32, #tpu.memory_space<vmem>>) target_semaphore(%run_scoped3A : memref<!tpu.dma_semaphore, #tpu.memory_space<semaphore_mem>>)
      tpu.wait_dma2 semaphore(%run_scoped3A : memref<!tpu.dma_semaphore, #tpu.memory_space<semaphore_mem>>) src(%arg5 : memref<9632xf32, #tpu.memory_space<hbm>>) dst(%arg14 : memref<9632xf32, #tpu.memory_space<vmem>>)
      tpu.yield
    }) : () -> ()
    %get3A = arith.constant 0 : i32
    %get3A_3 = arith.index_cast %get3A : i32 to index
    %get3A_4 = arith.constant 0 : index
    %get3A_5 = tpu.vector_load %arg12[%get3A_3, %get3A_4] {strides = array<i32>} : memref<2x16xf32, #tpu.memory_space<vmem>>, vector<16xf32>,
    %get3A_6 = arith.constant 1 : i32
    %get3A_7 = arith.index_cast %get3A_6 : i32 to index
    %get3A_8 = arith.constant 0 : index
    %get3A_9 = tpu.vector_load %arg12[%get3A_7, %get3A_8] {strides = array<i32>} : memref<2x16xf32, #tpu.memory_space<vmem>>, vector<16xf32>,
    %iota3A = tpu.iota {dimensions = array<i32: 0>} : vector<16xi32>
    %broadcast_in_dim3A = arith.constant 1.000000e+00 : f32
    %broadcast_in_dim3A_10 = vector.broadcast %broadcast_in_dim3A : f32 to vector<16xf32>
    %broadcast_in_dim3A_11 = arith.constant -16 : i32
    %broadcast_in_dim3A_12 = vector.broadcast %broadcast_in_dim3A_11 : i32 to vector<16xi32>
    %add3A_13 = arith.constant 0 : i32
    %add3A_14 = arith.addi %mul3A_2, %add3A_13 : i32
    %dma_start3A = arith.constant 0 : i32
    %dma_start3A_15 = arith.constant 0 : i32
    %dma_start3A_16 = tpu.memref_slice %arg2[%add3A_14, %dma_start3A, %dma_start3A_15] : memref<1792x56x192xf32, #tpu.memory_space<hbm>> -> memref<1x56x192xf32, #tpu.memory_space<hbm>>
    %dma_start3A_17 = tpu.memref_squeeze %dma_start3A_16 : memref<1x56x192xf32, #tpu.memory_space<hbm>> -> memref<56x192xf32, #tpu.memory_space<hbm>>
    %dma_start3A_18 = arith.constant 0 : i32
    %dma_start3A_19 = arith.constant 0 : i32
    %dma_start3A_20 = tpu.memref_slice %arg2[%add3A_14, %dma_start3A_18, %dma_start3A_19] : memref<1792x56x192xf32, #tpu.memory_space<hbm>> -> memref<1x56x192xf32, #tpu.memory_space<hbm>>
    %dma_start3A_21 = tpu.memref_squeeze %dma_start3A_20 : memref<1x56x192xf32, #tpu.memory_space<hbm>> -> memref<56x192xf32, #tpu.memory_space<hbm>>
    tpu.enqueue_dma source(%dma_start3A_21 : memref<56x192xf32, #tpu.memory_space<hbm>>) target(%arg8 : memref<56x192xf32, #tpu.memory_space<vmem>>) target_semaphore(%arg15 : memref<!tpu.dma_semaphore, #tpu.memory_space<semaphore_mem>>)
    %dma_start3A_22 = arith.constant 0 : i32
    %dma_start3A_23 = arith.constant 0 : i32
    %dma_start3A_24 = tpu.memref_slice %arg3[%add3A_14, %dma_start3A_22, %dma_start3A_23] : memref<1792x56x192xf32, #tpu.memory_space<hbm>> -> memref<1x56x192xf32, #tpu.memory_space<hbm>>
    %dma_start3A_25 = tpu.memref_squeeze %dma_start3A_24 : memref<1x56x192xf32, #tpu.memory_space<hbm>> -> memref<56x192xf32, #tpu.memory_space<hbm>>
    %dma_start3A_26 = arith.constant 0 : i32
    %dma_start3A_27 = arith.constant 0 : i32
    %dma_start3A_28 = tpu.memref_slice %arg3[%add3A_14, %dma_start3A_26, %dma_start3A_27] : memref<1792x56x192xf32, #tpu.memory_space<hbm>> -> memref<1x56x192xf32, #tpu.memory_space<hbm>>
    %dma_start3A_29 = tpu.memref_squeeze %dma_start3A_28 : memref<1x56x192xf32, #tpu.memory_space<hbm>> -> memref<56x192xf32, #tpu.memory_space<hbm>>
    tpu.enqueue_dma source(%dma_start3A_29 : memref<56x192xf32, #tpu.memory_space<hbm>>) target(%arg10 : memref<56x192xf32, #tpu.memory_space<vmem>>) target_semaphore(%arg15 : memref<!tpu.dma_semaphore, #tpu.memory_space<semaphore_mem>>)
    %add3A_30 = arith.constant 1 : i32
    %add3A_31 = arith.addi %mul3A_2, %add3A_30 : i32
    %dma_start3A_32 = arith.constant 0 : i32
    %dma_start3A_33 = arith.constant 0 : i32
    %dma_start3A_34 = tpu.memref_slice %arg2[%add3A_31, %dma_start3A_32, %dma_start3A_33] : memref<1792x56x192xf32, #tpu.memory_space<hbm>> -> memref<1x56x192xf32, #tpu.memory_space<hbm>>
    %dma_start3A_35 = tpu.memref_squeeze %dma_start3A_34 : memref<1x56x192xf32, #tpu.memory_space<hbm>> -> memref<56x192xf32, #tpu.memory_space<hbm>>
    %dma_start3A_36 = arith.constant 0 : i32
    %dma_start3A_37 = arith.constant 0 : i32
    %dma_start3A_38 = tpu.memref_slice %arg2[%add3A_31, %dma_start3A_36, %dma_start3A_37] : memref<1792x56x192xf32, #tpu.memory_space<hbm>> -> memref<1x56x192xf32, #tpu.memory_space<hbm>>
    %dma_start3A_39 = tpu.memref_squeeze %dma_start3A_38 : memref<1x56x192xf32, #tpu.memory_space<hbm>> -> memref<56x192xf32, #tpu.memory_space<hbm>>
    tpu.enqueue_dma source(%dma_start3A_39 : memref<56x192xf32, #tpu.memory_space<hbm>>) target(%arg9 : memref<56x192xf32, #tpu.memory_space<vmem>>) target_semaphore(%arg16 : memref<!tpu.dma_semaphore, #tpu.memory_space<semaphore_mem>>)
    %dma_start3A_40 = arith.constant 0 : i32
    %dma_start3A_41 = arith.constant 0 : i32
    %dma_start3A_42 = tpu.memref_slice %arg3[%add3A_31, %dma_start3A_40, %dma_start3A_41] : memref<1792x56x192xf32, #tpu.memory_space<hbm>> -> memref<1x56x192xf32, #tpu.memory_space<hbm>>
    %dma_start3A_43 = tpu.memref_squeeze %dma_start3A_42 : memref<1x56x192xf32, #tpu.memory_space<hbm>> -> memref<56x192xf32, #tpu.memory_space<hbm>>
    %dma_start3A_44 = arith.constant 0 : i32
    %dma_start3A_45 = arith.constant 0 : i32
    %dma_start3A_46 = tpu.memref_slice %arg3[%add3A_31, %dma_start3A_44, %dma_start3A_45] : memref<1792x56x192xf32, #tpu.memory_space<hbm>> -> memref<1x56x192xf32, #tpu.memory_space<hbm>>
    %dma_start3A_47 = tpu.memref_squeeze %dma_start3A_46 : memref<1x56x192xf32, #tpu.memory_space<hbm>> -> memref<56x192xf32, #tpu.memory_space<hbm>>
    tpu.enqueue_dma source(%dma_start3A_47 : memref<56x192xf32, #tpu.memory_space<hbm>>) target(%arg11 : memref<56x192xf32, #tpu.memory_space<vmem>>) target_semaphore(%arg16 : memref<!tpu.dma_semaphore, #tpu.memory_space<semaphore_mem>>)
    %scan3A = arith.constant 0 : i32
    %scan3A_48 = arith.constant 0 : i32
    %scan3A_49 = arith.constant 28 : i32
    %scan3A_50 = arith.addi %scan3A_48, %scan3A_49 : i32
    %scan3A_51 = arith.constant 1 : i32
    scf.for %scan3A_53 = %scan3A_48 to %scan3A_50 step %scan3A_51  : i32 {
      %mul3A_54 = arith.constant 2 : i32
      %mul3A_55 = arith.muli %scan3A_53, %mul3A_54 : i32
      %add3A_56 = arith.constant 0 : i32
      %add3A_57 = arith.addi %mul3A_55, %add3A_56 : i32
      %lt3A = arith.constant 56 : i32
      %lt3A_58 = arith.cmpi slt, %add3A_57, %lt3A : i32
      %convert_element_type3A = arith.extui %lt3A_58 : i1 to i32
      %cond3A = arith.constant 0 : i32
      %cond3A_59 = arith.cmpi ne, %convert_element_type3A, %cond3A : i32
      scf.if %cond3A_59 {
        %dma_wait3A = arith.constant 0 : i32
        %dma_wait3A_69 = arith.constant 0 : i32
        %dma_wait3A_70 = arith.constant 0 : i32
        %dma_wait3A_71 = tpu.memref_slice %arg2[%dma_wait3A, %dma_wait3A_69, %dma_wait3A_70] : memref<1792x56x192xf32, #tpu.memory_space<hbm>> -> memref<1x56x192xf32, #tpu.memory_space<hbm>>
        %dma_wait3A_72 = tpu.memref_squeeze %dma_wait3A_71 : memref<1x56x192xf32, #tpu.memory_space<hbm>> -> memref<56x192xf32, #tpu.memory_space<hbm>>
        %dma_wait3A_73 = arith.constant 0 : i32
        %dma_wait3A_74 = arith.constant 0 : i32
        %dma_wait3A_75 = tpu.memref_slice %arg2[%dma_wait3A, %dma_wait3A_73, %dma_wait3A_74] : memref<1792x56x192xf32, #tpu.memory_space<hbm>> -> memref<1x56x192xf32, #tpu.memory_space<hbm>>
        %dma_wait3A_76 = tpu.memref_squeeze %dma_wait3A_75 : memref<1x56x192xf32, #tpu.memory_space<hbm>> -> memref<56x192xf32, #tpu.memory_space<hbm>>
        tpu.wait_dma2 semaphore(%arg15 : memref<!tpu.dma_semaphore, #tpu.memory_space<semaphore_mem>>) src(%dma_wait3A_76 : memref<56x192xf32, #tpu.memory_space<hbm>>) dst(%arg8 : memref<56x192xf32, #tpu.memory_space<vmem>>)
        %dma_wait3A_77 = arith.constant 0 : i32
        %dma_wait3A_78 = arith.constant 0 : i32
        %dma_wait3A_79 = arith.constant 0 : i32
        %dma_wait3A_80 = tpu.memref_slice %arg3[%dma_wait3A_77, %dma_wait3A_78, %dma_wait3A_79] : memref<1792x56x192xf32, #tpu.memory_space<hbm>> -> memref<1x56x192xf32, #tpu.memory_space<hbm>>
        %dma_wait3A_81 = tpu.memref_squeeze %dma_wait3A_80 : memref<1x56x192xf32, #tpu.memory_space<hbm>> -> memref<56x192xf32, #tpu.memory_space<hbm>>
        %dma_wait3A_82 = arith.constant 0 : i32
        %dma_wait3A_83 = arith.constant 0 : i32
        %dma_wait3A_84 = tpu.memref_slice %arg3[%dma_wait3A_77, %dma_wait3A_82, %dma_wait3A_83] : memref<1792x56x192xf32, #tpu.memory_space<hbm>> -> memref<1x56x192xf32, #tpu.memory_space<hbm>>
        %dma_wait3A_85 = tpu.memref_squeeze %dma_wait3A_84 : memref<1x56x192xf32, #tpu.memory_space<hbm>> -> memref<56x192xf32, #tpu.memory_space<hbm>>
        tpu.wait_dma2 semaphore(%arg15 : memref<!tpu.dma_semaphore, #tpu.memory_space<semaphore_mem>>) src(%dma_wait3A_85 : memref<56x192xf32, #tpu.memory_space<hbm>>) dst(%arg10 : memref<56x192xf32, #tpu.memory_space<vmem>>)
        %parallel_loop3A = arith.constant 0 : i32
        %parallel_loop3A_86 = arith.constant 56 : i32
        %parallel_loop3A_87 = arith.constant 1 : i32
        scf.for %parallel_loop3A_95 = %parallel_loop3A to %parallel_loop3A_86 step %parallel_loop3A_87  : i32 {
          %parallel_loop3A_96 = arith.index_cast %parallel_loop3A_95 : i32 to index
          %parallel_loop3A_97 = arith.constant 0 : index
          %parallel_loop3A_98 = tpu.vector_load %arg8[%parallel_loop3A_96, %parallel_loop3A_97] {strides = array<i32>} : memref<56x192xf32, #tpu.memory_space<vmem>>, vector<16xf32>,
          %parallel_loop3A_99 = arith.index_cast %parallel_loop3A_95 : i32 to index
          %parallel_loop3A_100 = arith.constant 0 : index
          %parallel_loop3A_101 = tpu.vector_load %arg10[%parallel_loop3A_99, %parallel_loop3A_100] {strides = array<i32>} : memref<56x192xf32, #tpu.memory_space<vmem>>, vector<16xf32>,
          %parallel_loop3A_102 = arith.mulf %parallel_loop3A_98, %get3A_9 : vector<16xf32>
          %parallel_loop3A_103 = arith.addf %parallel_loop3A_102, %get3A_5 : vector<16xf32>
          %parallel_loop3A_104 = arith.fptosi %parallel_loop3A_103 : vector<16xf32> to vector<16xi32>
          %parallel_loop3A_105 = arith.andi %parallel_loop3A_104, %broadcast_in_dim3A_12 : vector<16xi32>
          %parallel_loop3A_106 = arith.ori %parallel_loop3A_105, %iota3A : vector<16xi32>
          tpu.vector_store_idx %arg13[%parallel_loop3A_106], %broadcast_in_dim3A_10 {add = true} : memref<9632xf32, #tpu.memory_space<vmem>>[vector<16xi32>], vector<16xf32>,
          tpu.vector_store_idx %arg14[%parallel_loop3A_106], %parallel_loop3A_101 {add = true} : memref<9632xf32, #tpu.memory_space<vmem>>[vector<16xi32>], vector<16xf32>,
          %parallel_loop3A_107 = arith.index_cast %parallel_loop3A_95 : i32 to index
          %parallel_loop3A_108 = arith.constant 16 : index
          %parallel_loop3A_109 = tpu.vector_load %arg8[%parallel_loop3A_107, %parallel_loop3A_108] {strides = array<i32>} : memref<56x192xf32, #tpu.memory_space<vmem>>, vector<16xf32>,
          %parallel_loop3A_110 = arith.index_cast %parallel_loop3A_95 : i32 to index
          %parallel_loop3A_111 = arith.constant 16 : index
          %parallel_loop3A_112 = tpu.vector_load %arg10[%parallel_loop3A_110, %parallel_loop3A_111] {strides = array<i32>} : memref<56x192xf32, #tpu.memory_space<vmem>>, vector<16xf32>,
          %parallel_loop3A_113 = arith.mulf %parallel_loop3A_109, %get3A_9 : vector<16xf32>
          %parallel_loop3A_114 = arith.addf %parallel_loop3A_113, %get3A_5 : vector<16xf32>
          %parallel_loop3A_115 = arith.fptosi %parallel_loop3A_114 : vector<16xf32> to vector<16xi32>
          %parallel_loop3A_116 = arith.andi %parallel_loop3A_115, %broadcast_in_dim3A_12 : vector<16xi32>
          %parallel_loop3A_117 = arith.ori %parallel_loop3A_116, %iota3A : vector<16xi32>
          tpu.vector_store_idx %arg13[%parallel_loop3A_117], %broadcast_in_dim3A_10 {add = true} : memref<9632xf32, #tpu.memory_space<vmem>>[vector<16xi32>], vector<16xf32>,
          tpu.vector_store_idx %arg14[%parallel_loop3A_117], %parallel_loop3A_112 {add = true} : memref<9632xf32, #tpu.memory_space<vmem>>[vector<16xi32>], vector<16xf32>,
          %parallel_loop3A_118 = arith.index_cast %parallel_loop3A_95 : i32 to index
          %parallel_loop3A_119 = arith.constant 32 : index
          %parallel_loop3A_120 = tpu.vector_load %arg8[%parallel_loop3A_118, %parallel_loop3A_119] {strides = array<i32>} : memref<56x192xf32, #tpu.memory_space<vmem>>, vector<16xf32>,
          %parallel_loop3A_121 = arith.index_cast %parallel_loop3A_95 : i32 to index
          %parallel_loop3A_122 = arith.constant 32 : index
          %parallel_loop3A_123 = tpu.vector_load %arg10[%parallel_loop3A_121, %parallel_loop3A_122] {strides = array<i32>} : memref<56x192xf32, #tpu.memory_space<vmem>>, vector<16xf32>,
          %parallel_loop3A_124 = arith.mulf %parallel_loop3A_120, %get3A_9 : vector<16xf32>
          %parallel_loop3A_125 = arith.addf %parallel_loop3A_124, %get3A_5 : vector<16xf32>
          %parallel_loop3A_126 = arith.fptosi %parallel_loop3A_125 : vector<16xf32> to vector<16xi32>
          %parallel_loop3A_127 = arith.andi %parallel_loop3A_126, %broadcast_in_dim3A_12 : vector<16xi32>
          %parallel_loop3A_128 = arith.ori %parallel_loop3A_127, %iota3A : vector<16xi32>
          tpu.vector_store_idx %arg13[%parallel_loop3A_128], %broadcast_in_dim3A_10 {add = true} : memref<9632xf32, #tpu.memory_space<vmem>>[vector<16xi32>], vector<16xf32>,
          tpu.vector_store_idx %arg14[%parallel_loop3A_128], %parallel_loop3A_123 {add = true} : memref<9632xf32, #tpu.memory_space<vmem>>[vector<16xi32>], vector<16xf32>,
          %parallel_loop3A_129 = arith.index_cast %parallel_loop3A_95 : i32 to index
          %parallel_loop3A_130 = arith.constant 48 : index
          %parallel_loop3A_131 = tpu.vector_load %arg8[%parallel_loop3A_129, %parallel_loop3A_130] {strides = array<i32>} : memref<56x192xf32, #tpu.memory_space<vmem>>, vector<16xf32>,
          %parallel_loop3A_132 = arith.index_cast %parallel_loop3A_95 : i32 to index
          %parallel_loop3A_133 = arith.constant 48 : index
          %parallel_loop3A_134 = tpu.vector_load %arg10[%parallel_loop3A_132, %parallel_loop3A_133] {strides = array<i32>} : memref<56x192xf32, #tpu.memory_space<vmem>>, vector<16xf32>,
          %parallel_loop3A_135 = arith.mulf %parallel_loop3A_131, %get3A_9 : vector<16xf32>
          %parallel_loop3A_136 = arith.addf %parallel_loop3A_135, %get3A_5 : vector<16xf32>
          %parallel_loop3A_137 = arith.fptosi %parallel_loop3A_136 : vector<16xf32> to vector<16xi32>
          %parallel_loop3A_138 = arith.andi %parallel_loop3A_137, %broadcast_in_dim3A_12 : vector<16xi32>
          %parallel_loop3A_139 = arith.ori %parallel_loop3A_138, %iota3A : vector<16xi32>
          tpu.vector_store_idx %arg13[%parallel_loop3A_139], %broadcast_in_dim3A_10 {add = true} : memref<9632xf32, #tpu.memory_space<vmem>>[vector<16xi32>], vector<16xf32>,
          tpu.vector_store_idx %arg14[%parallel_loop3A_139], %parallel_loop3A_134 {add = true} : memref<9632xf32, #tpu.memory_space<vmem>>[vector<16xi32>], vector<16xf32>,
          %parallel_loop3A_140 = arith.index_cast %parallel_loop3A_95 : i32 to index
          %parallel_loop3A_141 = arith.constant 64 : index
          %parallel_loop3A_142 = tpu.vector_load %arg8[%parallel_loop3A_140, %parallel_loop3A_141] {strides = array<i32>} : memref<56x192xf32, #tpu.memory_space<vmem>>, vector<16xf32>,
          %parallel_loop3A_143 = arith.index_cast %parallel_loop3A_95 : i32 to index
          %parallel_loop3A_144 = arith.constant 64 : index
          %parallel_loop3A_145 = tpu.vector_load %arg10[%parallel_loop3A_143, %parallel_loop3A_144] {strides = array<i32>} : memref<56x192xf32, #tpu.memory_space<vmem>>, vector<16xf32>,
          %parallel_loop3A_146 = arith.mulf %parallel_loop3A_142, %get3A_9 : vector<16xf32>
          %parallel_loop3A_147 = arith.addf %parallel_loop3A_146, %get3A_5 : vector<16xf32>
          %parallel_loop3A_148 = arith.fptosi %parallel_loop3A_147 : vector<16xf32> to vector<16xi32>
          %parallel_loop3A_149 = arith.andi %parallel_loop3A_148, %broadcast_in_dim3A_12 : vector<16xi32>
          %parallel_loop3A_150 = arith.ori %parallel_loop3A_149, %iota3A : vector<16xi32>
          tpu.vector_store_idx %arg13[%parallel_loop3A_150], %broadcast_in_dim3A_10 {add = true} : memref<9632xf32, #tpu.memory_space<vmem>>[vector<16xi32>], vector<16xf32>,
          tpu.vector_store_idx %arg14[%parallel_loop3A_150], %parallel_loop3A_145 {add = true} : memref<9632xf32, #tpu.memory_space<vmem>>[vector<16xi32>], vector<16xf32>,
          %parallel_loop3A_151 = arith.index_cast %parallel_loop3A_95 : i32 to index
          %parallel_loop3A_152 = arith.constant 80 : index
          %parallel_loop3A_153 = tpu.vector_load %arg8[%parallel_loop3A_151, %parallel_loop3A_152] {strides = array<i32>} : memref<56x192xf32, #tpu.memory_space<vmem>>, vector<16xf32>,
          %parallel_loop3A_154 = arith.index_cast %parallel_loop3A_95 : i32 to index
          %parallel_loop3A_155 = arith.constant 80 : index
          %parallel_loop3A_156 = tpu.vector_load %arg10[%parallel_loop3A_154, %parallel_loop3A_155] {strides = array<i32>} : memref<56x192xf32, #tpu.memory_space<vmem>>, vector<16xf32>,
          %parallel_loop3A_157 = arith.mulf %parallel_loop3A_153, %get3A_9 : vector<16xf32>
          %parallel_loop3A_158 = arith.addf %parallel_loop3A_157, %get3A_5 : vector<16xf32>
          %parallel_loop3A_159 = arith.fptosi %parallel_loop3A_158 : vector<16xf32> to vector<16xi32>
          %parallel_loop3A_160 = arith.andi %parallel_loop3A_159, %broadcast_in_dim3A_12 : vector<16xi32>
          %parallel_loop3A_161 = arith.ori %parallel_loop3A_160, %iota3A : vector<16xi32>
          tpu.vector_store_idx %arg13[%parallel_loop3A_161], %broadcast_in_dim3A_10 {add = true} : memref<9632xf32, #tpu.memory_space<vmem>>[vector<16xi32>], vector<16xf32>,
          tpu.vector_store_idx %arg14[%parallel_loop3A_161], %parallel_loop3A_156 {add = true} : memref<9632xf32, #tpu.memory_space<vmem>>[vector<16xi32>], vector<16xf32>,
          %parallel_loop3A_162 = arith.index_cast %parallel_loop3A_95 : i32 to index
          %parallel_loop3A_163 = arith.constant 96 : index
          %parallel_loop3A_164 = tpu.vector_load %arg8[%parallel_loop3A_162, %parallel_loop3A_163] {strides = array<i32>} : memref<56x192xf32, #tpu.memory_space<vmem>>, vector<16xf32>,
          %parallel_loop3A_165 = arith.index_cast %parallel_loop3A_95 : i32 to index
          %parallel_loop3A_166 = arith.constant 96 : index
          %parallel_loop3A_167 = tpu.vector_load %arg10[%parallel_loop3A_165, %parallel_loop3A_166] {strides = array<i32>} : memref<56x192xf32, #tpu.memory_space<vmem>>, vector<16xf32>,
          %parallel_loop3A_168 = arith.mulf %parallel_loop3A_164, %get3A_9 : vector<16xf32>
          %parallel_loop3A_169 = arith.addf %parallel_loop3A_168, %get3A_5 : vector<16xf32>
          %parallel_loop3A_170 = arith.fptosi %parallel_loop3A_169 : vector<16xf32> to vector<16xi32>
          %parallel_loop3A_171 = arith.andi %parallel_loop3A_170, %broadcast_in_dim3A_12 : vector<16xi32>
          %parallel_loop3A_172 = arith.ori %parallel_loop3A_171, %iota3A : vector<16xi32>
          tpu.vector_store_idx %arg13[%parallel_loop3A_172], %broadcast_in_dim3A_10 {add = true} : memref<9632xf32, #tpu.memory_space<vmem>>[vector<16xi32>], vector<16xf32>,
          tpu.vector_store_idx %arg14[%parallel_loop3A_172], %parallel_loop3A_167 {add = true} : memref<9632xf32, #tpu.memory_space<vmem>>[vector<16xi32>], vector<16xf32>,
          %parallel_loop3A_173 = arith.index_cast %parallel_loop3A_95 : i32 to index
          %parallel_loop3A_174 = arith.constant 112 : index
          %parallel_loop3A_175 = tpu.vector_load %arg8[%parallel_loop3A_173, %parallel_loop3A_174] {strides = array<i32>} : memref<56x192xf32, #tpu.memory_space<vmem>>, vector<16xf32>,
          %parallel_loop3A_176 = arith.index_cast %parallel_loop3A_95 : i32 to index
          %parallel_loop3A_177 = arith.constant 112 : index
          %parallel_loop3A_178 = tpu.vector_load %arg10[%parallel_loop3A_176, %parallel_loop3A_177] {strides = array<i32>} : memref<56x192xf32, #tpu.memory_space<vmem>>, vector<16xf32>,
          %parallel_loop3A_179 = arith.mulf %parallel_loop3A_175, %get3A_9 : vector<16xf32>
          %parallel_loop3A_180 = arith.addf %parallel_loop3A_179, %get3A_5 : vector<16xf32>
          %parallel_loop3A_181 = arith.fptosi %parallel_loop3A_180 : vector<16xf32> to vector<16xi32>
          %parallel_loop3A_182 = arith.andi %parallel_loop3A_181, %broadcast_in_dim3A_12 : vector<16xi32>
          %parallel_loop3A_183 = arith.ori %parallel_loop3A_182, %iota3A : vector<16xi32>
          tpu.vector_store_idx %arg13[%parallel_loop3A_183], %broadcast_in_dim3A_10 {add = true} : memref<9632xf32, #tpu.memory_space<vmem>>[vector<16xi32>], vector<16xf32>,
          tpu.vector_store_idx %arg14[%parallel_loop3A_183], %parallel_loop3A_178 {add = true} : memref<9632xf32, #tpu.memory_space<vmem>>[vector<16xi32>], vector<16xf32>,
          %parallel_loop3A_184 = arith.index_cast %parallel_loop3A_95 : i32 to index
          %parallel_loop3A_185 = arith.constant 128 : index
          %parallel_loop3A_186 = tpu.vector_load %arg8[%parallel_loop3A_184, %parallel_loop3A_185] {strides = array<i32>} : memref<56x192xf32, #tpu.memory_space<vmem>>, vector<16xf32>,
          %parallel_loop3A_187 = arith.index_cast %parallel_loop3A_95 : i32 to index
          %parallel_loop3A_188 = arith.constant 128 : index
          %parallel_loop3A_189 = tpu.vector_load %arg10[%parallel_loop3A_187, %parallel_loop3A_188] {strides = array<i32>} : memref<56x192xf32, #tpu.memory_space<vmem>>, vector<16xf32>,
          %parallel_loop3A_190 = arith.mulf %parallel_loop3A_186, %get3A_9 : vector<16xf32>
          %parallel_loop3A_191 = arith.addf %parallel_loop3A_190, %get3A_5 : vector<16xf32>
          %parallel_loop3A_192 = arith.fptosi %parallel_loop3A_191 : vector<16xf32> to vector<16xi32>
          %parallel_loop3A_193 = arith.andi %parallel_loop3A_192, %broadcast_in_dim3A_12 : vector<16xi32>
          %parallel_loop3A_194 = arith.ori %parallel_loop3A_193, %iota3A : vector<16xi32>
          tpu.vector_store_idx %arg13[%parallel_loop3A_194], %broadcast_in_dim3A_10 {add = true} : memref<9632xf32, #tpu.memory_space<vmem>>[vector<16xi32>], vector<16xf32>,
          tpu.vector_store_idx %arg14[%parallel_loop3A_194], %parallel_loop3A_189 {add = true} : memref<9632xf32, #tpu.memory_space<vmem>>[vector<16xi32>], vector<16xf32>,
          %parallel_loop3A_195 = arith.index_cast %parallel_loop3A_95 : i32 to index
          %parallel_loop3A_196 = arith.constant 144 : index
          %parallel_loop3A_197 = tpu.vector_load %arg8[%parallel_loop3A_195, %parallel_loop3A_196] {strides = array<i32>} : memref<56x192xf32, #tpu.memory_space<vmem>>, vector<16xf32>,
          %parallel_loop3A_198 = arith.index_cast %parallel_loop3A_95 : i32 to index
          %parallel_loop3A_199 = arith.constant 144 : index
          %parallel_loop3A_200 = tpu.vector_load %arg10[%parallel_loop3A_198, %parallel_loop3A_199] {strides = array<i32>} : memref<56x192xf32, #tpu.memory_space<vmem>>, vector<16xf32>,
          %parallel_loop3A_201 = arith.mulf %parallel_loop3A_197, %get3A_9 : vector<16xf32>
          %parallel_loop3A_202 = arith.addf %parallel_loop3A_201, %get3A_5 : vector<16xf32>
          %parallel_loop3A_203 = arith.fptosi %parallel_loop3A_202 : vector<16xf32> to vector<16xi32>
          %parallel_loop3A_204 = arith.andi %parallel_loop3A_203, %broadcast_in_dim3A_12 : vector<16xi32>
          %parallel_loop3A_205 = arith.ori %parallel_loop3A_204, %iota3A : vector<16xi32>
          tpu.vector_store_idx %arg13[%parallel_loop3A_205], %broadcast_in_dim3A_10 {add = true} : memref<9632xf32, #tpu.memory_space<vmem>>[vector<16xi32>], vector<16xf32>,
          tpu.vector_store_idx %arg14[%parallel_loop3A_205], %parallel_loop3A_200 {add = true} : memref<9632xf32, #tpu.memory_space<vmem>>[vector<16xi32>], vector<16xf32>,
          %parallel_loop3A_206 = arith.index_cast %parallel_loop3A_95 : i32 to index
          %parallel_loop3A_207 = arith.constant 160 : index
          %parallel_loop3A_208 = tpu.vector_load %arg8[%parallel_loop3A_206, %parallel_loop3A_207] {strides = array<i32>} : memref<56x192xf32, #tpu.memory_space<vmem>>, vector<16xf32>,
          %parallel_loop3A_209 = arith.index_cast %parallel_loop3A_95 : i32 to index
          %parallel_loop3A_210 = arith.constant 160 : index
          %parallel_loop3A_211 = tpu.vector_load %arg10[%parallel_loop3A_209, %parallel_loop3A_210] {strides = array<i32>} : memref<56x192xf32, #tpu.memory_space<vmem>>, vector<16xf32>,
          %parallel_loop3A_212 = arith.mulf %parallel_loop3A_208, %get3A_9 : vector<16xf32>
          %parallel_loop3A_213 = arith.addf %parallel_loop3A_212, %get3A_5 : vector<16xf32>
          %parallel_loop3A_214 = arith.fptosi %parallel_loop3A_213 : vector<16xf32> to vector<16xi32>
          %parallel_loop3A_215 = arith.andi %parallel_loop3A_214, %broadcast_in_dim3A_12 : vector<16xi32>
          %parallel_loop3A_216 = arith.ori %parallel_loop3A_215, %iota3A : vector<16xi32>
          tpu.vector_store_idx %arg13[%parallel_loop3A_216], %broadcast_in_dim3A_10 {add = true} : memref<9632xf32, #tpu.memory_space<vmem>>[vector<16xi32>], vector<16xf32>,
          tpu.vector_store_idx %arg14[%parallel_loop3A_216], %parallel_loop3A_211 {add = true} : memref<9632xf32, #tpu.memory_space<vmem>>[vector<16xi32>], vector<16xf32>,
          %parallel_loop3A_217 = arith.index_cast %parallel_loop3A_95 : i32 to index
          %parallel_loop3A_218 = arith.constant 176 : index
          %parallel_loop3A_219 = tpu.vector_load %arg8[%parallel_loop3A_217, %parallel_loop3A_218] {strides = array<i32>} : memref<56x192xf32, #tpu.memory_space<vmem>>, vector<16xf32>,
          %parallel_loop3A_220 = arith.index_cast %parallel_loop3A_95 : i32 to index
          %parallel_loop3A_221 = arith.constant 176 : index
          %parallel_loop3A_222 = tpu.vector_load %arg10[%parallel_loop3A_220, %parallel_loop3A_221] {strides = array<i32>} : memref<56x192xf32, #tpu.memory_space<vmem>>, vector<16xf32>,
          %parallel_loop3A_223 = arith.mulf %parallel_loop3A_219, %get3A_9 : vector<16xf32>
          %parallel_loop3A_224 = arith.addf %parallel_loop3A_223, %get3A_5 : vector<16xf32>
          %parallel_loop3A_225 = arith.fptosi %parallel_loop3A_224 : vector<16xf32> to vector<16xi32>
          %parallel_loop3A_226 = arith.andi %parallel_loop3A_225, %broadcast_in_dim3A_12 : vector<16xi32>
          %parallel_loop3A_227 = arith.ori %parallel_loop3A_226, %iota3A : vector<16xi32>
          tpu.vector_store_idx %arg13[%parallel_loop3A_227], %broadcast_in_dim3A_10 {add = true} : memref<9632xf32, #tpu.memory_space<vmem>>[vector<16xi32>], vector<16xf32>,
          tpu.vector_store_idx %arg14[%parallel_loop3A_227], %parallel_loop3A_222 {add = true} : memref<9632xf32, #tpu.memory_space<vmem>>[vector<16xi32>], vector<16xf32>,
        } {sc.loop_unroll_factor = 1 : i64, sc.parallel_access}
        %add3A_88 = arith.constant 2 : i32
        %add3A_89 = arith.addi %add3A_57, %add3A_88 : i32
        %lt3A_90 = arith.constant 56 : i32
        %lt3A_91 = arith.cmpi slt, %add3A_89, %lt3A_90 : i32
        %convert_element_type3A_92 = arith.extui %lt3A_91 : i1 to i32
        %cond3A_93 = arith.constant 0 : i32
        %cond3A_94 = arith.cmpi ne, %convert_element_type3A_92, %cond3A_93 : i32
        scf.if %cond3A_94 {
          %add3A_95 = arith.constant 2 : i32
          %add3A_96 = arith.addi %add3A_57, %add3A_95 : i32
          %add3A_97 = arith.addi %mul3A_2, %add3A_96 : i32
          %dma_start3A_98 = arith.constant 0 : i32
          %dma_start3A_99 = arith.constant 0 : i32
          %dma_start3A_100 = tpu.memref_slice %arg2[%add3A_97, %dma_start3A_98, %dma_start3A_99] : memref<1792x56x192xf32, #tpu.memory_space<hbm>> -> memref<1x56x192xf32, #tpu.memory_space<hbm>>
          %dma_start3A_101 = tpu.memref_squeeze %dma_start3A_100 : memref<1x56x192xf32, #tpu.memory_space<hbm>> -> memref<56x192xf32, #tpu.memory_space<hbm>>
          %dma_start3A_102 = arith.constant 0 : i32
          %dma_start3A_103 = arith.constant 0 : i32
          %dma_start3A_104 = tpu.memref_slice %arg2[%add3A_97, %dma_start3A_102, %dma_start3A_103] : memref<1792x56x192xf32, #tpu.memory_space<hbm>> -> memref<1x56x192xf32, #tpu.memory_space<hbm>>
          %dma_start3A_105 = tpu.memref_squeeze %dma_start3A_104 : memref<1x56x192xf32, #tpu.memory_space<hbm>> -> memref<56x192xf32, #tpu.memory_space<hbm>>
          tpu.enqueue_dma source(%dma_start3A_105 : memref<56x192xf32, #tpu.memory_space<hbm>>) target(%arg8 : memref<56x192xf32, #tpu.memory_space<vmem>>) target_semaphore(%arg15 : memref<!tpu.dma_semaphore, #tpu.memory_space<semaphore_mem>>)
          %dma_start3A_106 = arith.constant 0 : i32
          %dma_start3A_107 = arith.constant 0 : i32
          %dma_start3A_108 = tpu.memref_slice %arg3[%add3A_97, %dma_start3A_106, %dma_start3A_107] : memref<1792x56x192xf32, #tpu.memory_space<hbm>> -> memref<1x56x192xf32, #tpu.memory_space<hbm>>
          %dma_start3A_109 = tpu.memref_squeeze %dma_start3A_108 : memref<1x56x192xf32, #tpu.memory_space<hbm>> -> memref<56x192xf32, #tpu.memory_space<hbm>>
          %dma_start3A_110 = arith.constant 0 : i32
          %dma_start3A_111 = arith.constant 0 : i32
          %dma_start3A_112 = tpu.memref_slice %arg3[%add3A_97, %dma_start3A_110, %dma_start3A_111] : memref<1792x56x192xf32, #tpu.memory_space<hbm>> -> memref<1x56x192xf32, #tpu.memory_space<hbm>>
          %dma_start3A_113 = tpu.memref_squeeze %dma_start3A_112 : memref<1x56x192xf32, #tpu.memory_space<hbm>> -> memref<56x192xf32, #tpu.memory_space<hbm>>
          tpu.enqueue_dma source(%dma_start3A_113 : memref<56x192xf32, #tpu.memory_space<hbm>>) target(%arg10 : memref<56x192xf32, #tpu.memory_space<vmem>>) target_semaphore(%arg15 : memref<!tpu.dma_semaphore, #tpu.memory_space<semaphore_mem>>)
        } else {
        }
      } else {
      }
      %mul3A_60 = arith.constant 2 : i32
      %mul3A_61 = arith.muli %scan3A_53, %mul3A_60 : i32
      %add3A_62 = arith.constant 1 : i32
      %add3A_63 = arith.addi %mul3A_61, %add3A_62 : i32
      %lt3A_64 = arith.constant 56 : i32
      %lt3A_65 = arith.cmpi slt, %add3A_63, %lt3A_64 : i32
      %convert_element_type3A_66 = arith.extui %lt3A_65 : i1 to i32
      %cond3A_67 = arith.constant 0 : i32
      %cond3A_68 = arith.cmpi ne, %convert_element_type3A_66, %cond3A_67 : i32
      scf.if %cond3A_68 {
        %dma_wait3A = arith.constant 0 : i32
        %dma_wait3A_69 = arith.constant 0 : i32
        %dma_wait3A_70 = arith.constant 0 : i32
        %dma_wait3A_71 = tpu.memref_slice %arg2[%dma_wait3A, %dma_wait3A_69, %dma_wait3A_70] : memref<1792x56x192xf32, #tpu.memory_space<hbm>> -> memref<1x56x192xf32, #tpu.memory_space<hbm>>
        %dma_wait3A_72 = tpu.memref_squeeze %dma_wait3A_71 : memref<1x56x192xf32, #tpu.memory_space<hbm>> -> memref<56x192xf32, #tpu.memory_space<hbm>>
        %dma_wait3A_73 = arith.constant 0 : i32
        %dma_wait3A_74 = arith.constant 0 : i32
        %dma_wait3A_75 = tpu.memref_slice %arg2[%dma_wait3A, %dma_wait3A_73, %dma_wait3A_74] : memref<1792x56x192xf32, #tpu.memory_space<hbm>> -> memref<1x56x192xf32, #tpu.memory_space<hbm>>
        %dma_wait3A_76 = tpu.memref_squeeze %dma_wait3A_75 : memref<1x56x192xf32, #tpu.memory_space<hbm>> -> memref<56x192xf32, #tpu.memory_space<hbm>>
        tpu.wait_dma2 semaphore(%arg16 : memref<!tpu.dma_semaphore, #tpu.memory_space<semaphore_mem>>) src(%dma_wait3A_76 : memref<56x192xf32, #tpu.memory_space<hbm>>) dst(%arg9 : memref<56x192xf32, #tpu.memory_space<vmem>>)
        %dma_wait3A_77 = arith.constant 0 : i32
        %dma_wait3A_78 = arith.constant 0 : i32
        %dma_wait3A_79 = arith.constant 0 : i32
        %dma_wait3A_80 = tpu.memref_slice %arg3[%dma_wait3A_77, %dma_wait3A_78, %dma_wait3A_79] : memref<1792x56x192xf32, #tpu.memory_space<hbm>> -> memref<1x56x192xf32, #tpu.memory_space<hbm>>
        %dma_wait3A_81 = tpu.memref_squeeze %dma_wait3A_80 : memref<1x56x192xf32, #tpu.memory_space<hbm>> -> memref<56x192xf32, #tpu.memory_space<hbm>>
        %dma_wait3A_82 = arith.constant 0 : i32
        %dma_wait3A_83 = arith.constant 0 : i32
        %dma_wait3A_84 = tpu.memref_slice %arg3[%dma_wait3A_77, %dma_wait3A_82, %dma_wait3A_83] : memref<1792x56x192xf32, #tpu.memory_space<hbm>> -> memref<1x56x192xf32, #tpu.memory_space<hbm>>
        %dma_wait3A_85 = tpu.memref_squeeze %dma_wait3A_84 : memref<1x56x192xf32, #tpu.memory_space<hbm>> -> memref<56x192xf32, #tpu.memory_space<hbm>>
        tpu.wait_dma2 semaphore(%arg16 : memref<!tpu.dma_semaphore, #tpu.memory_space<semaphore_mem>>) src(%dma_wait3A_85 : memref<56x192xf32, #tpu.memory_space<hbm>>) dst(%arg11 : memref<56x192xf32, #tpu.memory_space<vmem>>)
        %parallel_loop3A = arith.constant 0 : i32
        %parallel_loop3A_86 = arith.constant 56 : i32
        %parallel_loop3A_87 = arith.constant 1 : i32
        scf.for %parallel_loop3A_95 = %parallel_loop3A to %parallel_loop3A_86 step %parallel_loop3A_87  : i32 {
          %parallel_loop3A_96 = arith.index_cast %parallel_loop3A_95 : i32 to index
          %parallel_loop3A_97 = arith.constant 0 : index
          %parallel_loop3A_98 = tpu.vector_load %arg9[%parallel_loop3A_96, %parallel_loop3A_97] {strides = array<i32>} : memref<56x192xf32, #tpu.memory_space<vmem>>, vector<16xf32>,
          %parallel_loop3A_99 = arith.index_cast %parallel_loop3A_95 : i32 to index
          %parallel_loop3A_100 = arith.constant 0 : index
          %parallel_loop3A_101 = tpu.vector_load %arg11[%parallel_loop3A_99, %parallel_loop3A_100] {strides = array<i32>} : memref<56x192xf32, #tpu.memory_space<vmem>>, vector<16xf32>,
          %parallel_loop3A_102 = arith.mulf %parallel_loop3A_98, %get3A_9 : vector<16xf32>
          %parallel_loop3A_103 = arith.addf %parallel_loop3A_102, %get3A_5 : vector<16xf32>
          %parallel_loop3A_104 = arith.fptosi %parallel_loop3A_103 : vector<16xf32> to vector<16xi32>
          %parallel_loop3A_105 = arith.andi %parallel_loop3A_104, %broadcast_in_dim3A_12 : vector<16xi32>
          %parallel_loop3A_106 = arith.ori %parallel_loop3A_105, %iota3A : vector<16xi32>
          tpu.vector_store_idx %arg13[%parallel_loop3A_106], %broadcast_in_dim3A_10 {add = true} : memref<9632xf32, #tpu.memory_space<vmem>>[vector<16xi32>], vector<16xf32>,
          tpu.vector_store_idx %arg14[%parallel_loop3A_106], %parallel_loop3A_101 {add = true} : memref<9632xf32, #tpu.memory_space<vmem>>[vector<16xi32>], vector<16xf32>,
          %parallel_loop3A_107 = arith.index_cast %parallel_loop3A_95 : i32 to index
          %parallel_loop3A_108 = arith.constant 16 : index
          %parallel_loop3A_109 = tpu.vector_load %arg9[%parallel_loop3A_107, %parallel_loop3A_108] {strides = array<i32>} : memref<56x192xf32, #tpu.memory_space<vmem>>, vector<16xf32>,
          %parallel_loop3A_110 = arith.index_cast %parallel_loop3A_95 : i32 to index
          %parallel_loop3A_111 = arith.constant 16 : index
          %parallel_loop3A_112 = tpu.vector_load %arg11[%parallel_loop3A_110, %parallel_loop3A_111] {strides = array<i32>} : memref<56x192xf32, #tpu.memory_space<vmem>>, vector<16xf32>,
          %parallel_loop3A_113 = arith.mulf %parallel_loop3A_109, %get3A_9 : vector<16xf32>
          %parallel_loop3A_114 = arith.addf %parallel_loop3A_113, %get3A_5 : vector<16xf32>
          %parallel_loop3A_115 = arith.fptosi %parallel_loop3A_114 : vector<16xf32> to vector<16xi32>
          %parallel_loop3A_116 = arith.andi %parallel_loop3A_115, %broadcast_in_dim3A_12 : vector<16xi32>
          %parallel_loop3A_117 = arith.ori %parallel_loop3A_116, %iota3A : vector<16xi32>
          tpu.vector_store_idx %arg13[%parallel_loop3A_117], %broadcast_in_dim3A_10 {add = true} : memref<9632xf32, #tpu.memory_space<vmem>>[vector<16xi32>], vector<16xf32>,
          tpu.vector_store_idx %arg14[%parallel_loop3A_117], %parallel_loop3A_112 {add = true} : memref<9632xf32, #tpu.memory_space<vmem>>[vector<16xi32>], vector<16xf32>,
          %parallel_loop3A_118 = arith.index_cast %parallel_loop3A_95 : i32 to index
          %parallel_loop3A_119 = arith.constant 32 : index
          %parallel_loop3A_120 = tpu.vector_load %arg9[%parallel_loop3A_118, %parallel_loop3A_119] {strides = array<i32>} : memref<56x192xf32, #tpu.memory_space<vmem>>, vector<16xf32>,
          %parallel_loop3A_121 = arith.index_cast %parallel_loop3A_95 : i32 to index
          %parallel_loop3A_122 = arith.constant 32 : index
          %parallel_loop3A_123 = tpu.vector_load %arg11[%parallel_loop3A_121, %parallel_loop3A_122] {strides = array<i32>} : memref<56x192xf32, #tpu.memory_space<vmem>>, vector<16xf32>,
          %parallel_loop3A_124 = arith.mulf %parallel_loop3A_120, %get3A_9 : vector<16xf32>
          %parallel_loop3A_125 = arith.addf %parallel_loop3A_124, %get3A_5 : vector<16xf32>
          %parallel_loop3A_126 = arith.fptosi %parallel_loop3A_125 : vector<16xf32> to vector<16xi32>
          %parallel_loop3A_127 = arith.andi %parallel_loop3A_126, %broadcast_in_dim3A_12 : vector<16xi32>
          %parallel_loop3A_128 = arith.ori %parallel_loop3A_127, %iota3A : vector<16xi32>
          tpu.vector_store_idx %arg13[%parallel_loop3A_128], %broadcast_in_dim3A_10 {add = true} : memref<9632xf32, #tpu.memory_space<vmem>>[vector<16xi32>], vector<16xf32>,
          tpu.vector_store_idx %arg14[%parallel_loop3A_128], %parallel_loop3A_123 {add = true} : memref<9632xf32, #tpu.memory_space<vmem>>[vector<16xi32>], vector<16xf32>,
          %parallel_loop3A_129 = arith.index_cast %parallel_loop3A_95 : i32 to index
          %parallel_loop3A_130 = arith.constant 48 : index
          %parallel_loop3A_131 = tpu.vector_load %arg9[%parallel_loop3A_129, %parallel_loop3A_130] {strides = array<i32>} : memref<56x192xf32, #tpu.memory_space<vmem>>, vector<16xf32>,
          %parallel_loop3A_132 = arith.index_cast %parallel_loop3A_95 : i32 to index
          %parallel_loop3A_133 = arith.constant 48 : index
          %parallel_loop3A_134 = tpu.vector_load %arg11[%parallel_loop3A_132, %parallel_loop3A_133] {strides = array<i32>} : memref<56x192xf32, #tpu.memory_space<vmem>>, vector<16xf32>,
          %parallel_loop3A_135 = arith.mulf %parallel_loop3A_131, %get3A_9 : vector<16xf32>
          %parallel_loop3A_136 = arith.addf %parallel_loop3A_135, %get3A_5 : vector<16xf32>
          %parallel_loop3A_137 = arith.fptosi %parallel_loop3A_136 : vector<16xf32> to vector<16xi32>
          %parallel_loop3A_138 = arith.andi %parallel_loop3A_137, %broadcast_in_dim3A_12 : vector<16xi32>
          %parallel_loop3A_139 = arith.ori %parallel_loop3A_138, %iota3A : vector<16xi32>
          tpu.vector_store_idx %arg13[%parallel_loop3A_139], %broadcast_in_dim3A_10 {add = true} : memref<9632xf32, #tpu.memory_space<vmem>>[vector<16xi32>], vector<16xf32>,
          tpu.vector_store_idx %arg14[%parallel_loop3A_139], %parallel_loop3A_134 {add = true} : memref<9632xf32, #tpu.memory_space<vmem>>[vector<16xi32>], vector<16xf32>,
          %parallel_loop3A_140 = arith.index_cast %parallel_loop3A_95 : i32 to index
          %parallel_loop3A_141 = arith.constant 64 : index
          %parallel_loop3A_142 = tpu.vector_load %arg9[%parallel_loop3A_140, %parallel_loop3A_141] {strides = array<i32>} : memref<56x192xf32, #tpu.memory_space<vmem>>, vector<16xf32>,
          %parallel_loop3A_143 = arith.index_cast %parallel_loop3A_95 : i32 to index
          %parallel_loop3A_144 = arith.constant 64 : index
          %parallel_loop3A_145 = tpu.vector_load %arg11[%parallel_loop3A_143, %parallel_loop3A_144] {strides = array<i32>} : memref<56x192xf32, #tpu.memory_space<vmem>>, vector<16xf32>,
          %parallel_loop3A_146 = arith.mulf %parallel_loop3A_142, %get3A_9 : vector<16xf32>
          %parallel_loop3A_147 = arith.addf %parallel_loop3A_146, %get3A_5 : vector<16xf32>
          %parallel_loop3A_148 = arith.fptosi %parallel_loop3A_147 : vector<16xf32> to vector<16xi32>
          %parallel_loop3A_149 = arith.andi %parallel_loop3A_148, %broadcast_in_dim3A_12 : vector<16xi32>
          %parallel_loop3A_150 = arith.ori %parallel_loop3A_149, %iota3A : vector<16xi32>
          tpu.vector_store_idx %arg13[%parallel_loop3A_150], %broadcast_in_dim3A_10 {add = true} : memref<9632xf32, #tpu.memory_space<vmem>>[vector<16xi32>], vector<16xf32>,
          tpu.vector_store_idx %arg14[%parallel_loop3A_150], %parallel_loop3A_145 {add = true} : memref<9632xf32, #tpu.memory_space<vmem>>[vector<16xi32>], vector<16xf32>,
          %parallel_loop3A_151 = arith.index_cast %parallel_loop3A_95 : i32 to index
          %parallel_loop3A_152 = arith.constant 80 : index
          %parallel_loop3A_153 = tpu.vector_load %arg9[%parallel_loop3A_151, %parallel_loop3A_152] {strides = array<i32>} : memref<56x192xf32, #tpu.memory_space<vmem>>, vector<16xf32>,
          %parallel_loop3A_154 = arith.index_cast %parallel_loop3A_95 : i32 to index
          %parallel_loop3A_155 = arith.constant 80 : index
          %parallel_loop3A_156 = tpu.vector_load %arg11[%parallel_loop3A_154, %parallel_loop3A_155] {strides = array<i32>} : memref<56x192xf32, #tpu.memory_space<vmem>>, vector<16xf32>,
          %parallel_loop3A_157 = arith.mulf %parallel_loop3A_153, %get3A_9 : vector<16xf32>
          %parallel_loop3A_158 = arith.addf %parallel_loop3A_157, %get3A_5 : vector<16xf32>
          %parallel_loop3A_159 = arith.fptosi %parallel_loop3A_158 : vector<16xf32> to vector<16xi32>
          %parallel_loop3A_160 = arith.andi %parallel_loop3A_159, %broadcast_in_dim3A_12 : vector<16xi32>
          %parallel_loop3A_161 = arith.ori %parallel_loop3A_160, %iota3A : vector<16xi32>
          tpu.vector_store_idx %arg13[%parallel_loop3A_161], %broadcast_in_dim3A_10 {add = true} : memref<9632xf32, #tpu.memory_space<vmem>>[vector<16xi32>], vector<16xf32>,
          tpu.vector_store_idx %arg14[%parallel_loop3A_161], %parallel_loop3A_156 {add = true} : memref<9632xf32, #tpu.memory_space<vmem>>[vector<16xi32>], vector<16xf32>,
          %parallel_loop3A_162 = arith.index_cast %parallel_loop3A_95 : i32 to index
          %parallel_loop3A_163 = arith.constant 96 : index
          %parallel_loop3A_164 = tpu.vector_load %arg9[%parallel_loop3A_162, %parallel_loop3A_163] {strides = array<i32>} : memref<56x192xf32, #tpu.memory_space<vmem>>, vector<16xf32>,
          %parallel_loop3A_165 = arith.index_cast %parallel_loop3A_95 : i32 to index
          %parallel_loop3A_166 = arith.constant 96 : index
          %parallel_loop3A_167 = tpu.vector_load %arg11[%parallel_loop3A_165, %parallel_loop3A_166] {strides = array<i32>} : memref<56x192xf32, #tpu.memory_space<vmem>>, vector<16xf32>,
          %parallel_loop3A_168 = arith.mulf %parallel_loop3A_164, %get3A_9 : vector<16xf32>
          %parallel_loop3A_169 = arith.addf %parallel_loop3A_168, %get3A_5 : vector<16xf32>
          %parallel_loop3A_170 = arith.fptosi %parallel_loop3A_169 : vector<16xf32> to vector<16xi32>
          %parallel_loop3A_171 = arith.andi %parallel_loop3A_170, %broadcast_in_dim3A_12 : vector<16xi32>
          %parallel_loop3A_172 = arith.ori %parallel_loop3A_171, %iota3A : vector<16xi32>
          tpu.vector_store_idx %arg13[%parallel_loop3A_172], %broadcast_in_dim3A_10 {add = true} : memref<9632xf32, #tpu.memory_space<vmem>>[vector<16xi32>], vector<16xf32>,
          tpu.vector_store_idx %arg14[%parallel_loop3A_172], %parallel_loop3A_167 {add = true} : memref<9632xf32, #tpu.memory_space<vmem>>[vector<16xi32>], vector<16xf32>,
          %parallel_loop3A_173 = arith.index_cast %parallel_loop3A_95 : i32 to index
          %parallel_loop3A_174 = arith.constant 112 : index
          %parallel_loop3A_175 = tpu.vector_load %arg9[%parallel_loop3A_173, %parallel_loop3A_174] {strides = array<i32>} : memref<56x192xf32, #tpu.memory_space<vmem>>, vector<16xf32>,
          %parallel_loop3A_176 = arith.index_cast %parallel_loop3A_95 : i32 to index
          %parallel_loop3A_177 = arith.constant 112 : index
          %parallel_loop3A_178 = tpu.vector_load %arg11[%parallel_loop3A_176, %parallel_loop3A_177] {strides = array<i32>} : memref<56x192xf32, #tpu.memory_space<vmem>>, vector<16xf32>,
          %parallel_loop3A_179 = arith.mulf %parallel_loop3A_175, %get3A_9 : vector<16xf32>
          %parallel_loop3A_180 = arith.addf %parallel_loop3A_179, %get3A_5 : vector<16xf32>
          %parallel_loop3A_181 = arith.fptosi %parallel_loop3A_180 : vector<16xf32> to vector<16xi32>
          %parallel_loop3A_182 = arith.andi %parallel_loop3A_181, %broadcast_in_dim3A_12 : vector<16xi32>
          %parallel_loop3A_183 = arith.ori %parallel_loop3A_182, %iota3A : vector<16xi32>
          tpu.vector_store_idx %arg13[%parallel_loop3A_183], %broadcast_in_dim3A_10 {add = true} : memref<9632xf32, #tpu.memory_space<vmem>>[vector<16xi32>], vector<16xf32>,
          tpu.vector_store_idx %arg14[%parallel_loop3A_183], %parallel_loop3A_178 {add = true} : memref<9632xf32, #tpu.memory_space<vmem>>[vector<16xi32>], vector<16xf32>,
          %parallel_loop3A_184 = arith.index_cast %parallel_loop3A_95 : i32 to index
          %parallel_loop3A_185 = arith.constant 128 : index
          %parallel_loop3A_186 = tpu.vector_load %arg9[%parallel_loop3A_184, %parallel_loop3A_185] {strides = array<i32>} : memref<56x192xf32, #tpu.memory_space<vmem>>, vector<16xf32>,
          %parallel_loop3A_187 = arith.index_cast %parallel_loop3A_95 : i32 to index
          %parallel_loop3A_188 = arith.constant 128 : index
          %parallel_loop3A_189 = tpu.vector_load %arg11[%parallel_loop3A_187, %parallel_loop3A_188] {strides = array<i32>} : memref<56x192xf32, #tpu.memory_space<vmem>>, vector<16xf32>,
          %parallel_loop3A_190 = arith.mulf %parallel_loop3A_186, %get3A_9 : vector<16xf32>
          %parallel_loop3A_191 = arith.addf %parallel_loop3A_190, %get3A_5 : vector<16xf32>
          %parallel_loop3A_192 = arith.fptosi %parallel_loop3A_191 : vector<16xf32> to vector<16xi32>
          %parallel_loop3A_193 = arith.andi %parallel_loop3A_192, %broadcast_in_dim3A_12 : vector<16xi32>
          %parallel_loop3A_194 = arith.ori %parallel_loop3A_193, %iota3A : vector<16xi32>
          tpu.vector_store_idx %arg13[%parallel_loop3A_194], %broadcast_in_dim3A_10 {add = true} : memref<9632xf32, #tpu.memory_space<vmem>>[vector<16xi32>], vector<16xf32>,
          tpu.vector_store_idx %arg14[%parallel_loop3A_194], %parallel_loop3A_189 {add = true} : memref<9632xf32, #tpu.memory_space<vmem>>[vector<16xi32>], vector<16xf32>,
          %parallel_loop3A_195 = arith.index_cast %parallel_loop3A_95 : i32 to index
          %parallel_loop3A_196 = arith.constant 144 : index
          %parallel_loop3A_197 = tpu.vector_load %arg9[%parallel_loop3A_195, %parallel_loop3A_196] {strides = array<i32>} : memref<56x192xf32, #tpu.memory_space<vmem>>, vector<16xf32>,
          %parallel_loop3A_198 = arith.index_cast %parallel_loop3A_95 : i32 to index
          %parallel_loop3A_199 = arith.constant 144 : index
          %parallel_loop3A_200 = tpu.vector_load %arg11[%parallel_loop3A_198, %parallel_loop3A_199] {strides = array<i32>} : memref<56x192xf32, #tpu.memory_space<vmem>>, vector<16xf32>,
          %parallel_loop3A_201 = arith.mulf %parallel_loop3A_197, %get3A_9 : vector<16xf32>
          %parallel_loop3A_202 = arith.addf %parallel_loop3A_201, %get3A_5 : vector<16xf32>
          %parallel_loop3A_203 = arith.fptosi %parallel_loop3A_202 : vector<16xf32> to vector<16xi32>
          %parallel_loop3A_204 = arith.andi %parallel_loop3A_203, %broadcast_in_dim3A_12 : vector<16xi32>
          %parallel_loop3A_205 = arith.ori %parallel_loop3A_204, %iota3A : vector<16xi32>
          tpu.vector_store_idx %arg13[%parallel_loop3A_205], %broadcast_in_dim3A_10 {add = true} : memref<9632xf32, #tpu.memory_space<vmem>>[vector<16xi32>], vector<16xf32>,
          tpu.vector_store_idx %arg14[%parallel_loop3A_205], %parallel_loop3A_200 {add = true} : memref<9632xf32, #tpu.memory_space<vmem>>[vector<16xi32>], vector<16xf32>,
          %parallel_loop3A_206 = arith.index_cast %parallel_loop3A_95 : i32 to index
          %parallel_loop3A_207 = arith.constant 160 : index
          %parallel_loop3A_208 = tpu.vector_load %arg9[%parallel_loop3A_206, %parallel_loop3A_207] {strides = array<i32>} : memref<56x192xf32, #tpu.memory_space<vmem>>, vector<16xf32>,
          %parallel_loop3A_209 = arith.index_cast %parallel_loop3A_95 : i32 to index
          %parallel_loop3A_210 = arith.constant 160 : index
          %parallel_loop3A_211 = tpu.vector_load %arg11[%parallel_loop3A_209, %parallel_loop3A_210] {strides = array<i32>} : memref<56x192xf32, #tpu.memory_space<vmem>>, vector<16xf32>,
          %parallel_loop3A_212 = arith.mulf %parallel_loop3A_208, %get3A_9 : vector<16xf32>
          %parallel_loop3A_213 = arith.addf %parallel_loop3A_212, %get3A_5 : vector<16xf32>
          %parallel_loop3A_214 = arith.fptosi %parallel_loop3A_213 : vector<16xf32> to vector<16xi32>
          %parallel_loop3A_215 = arith.andi %parallel_loop3A_214, %broadcast_in_dim3A_12 : vector<16xi32>
          %parallel_loop3A_216 = arith.ori %parallel_loop3A_215, %iota3A : vector<16xi32>
          tpu.vector_store_idx %arg13[%parallel_loop3A_216], %broadcast_in_dim3A_10 {add = true} : memref<9632xf32, #tpu.memory_space<vmem>>[vector<16xi32>], vector<16xf32>,
          tpu.vector_store_idx %arg14[%parallel_loop3A_216], %parallel_loop3A_211 {add = true} : memref<9632xf32, #tpu.memory_space<vmem>>[vector<16xi32>], vector<16xf32>,
          %parallel_loop3A_217 = arith.index_cast %parallel_loop3A_95 : i32 to index
          %parallel_loop3A_218 = arith.constant 176 : index
          %parallel_loop3A_219 = tpu.vector_load %arg9[%parallel_loop3A_217, %parallel_loop3A_218] {strides = array<i32>} : memref<56x192xf32, #tpu.memory_space<vmem>>, vector<16xf32>,
          %parallel_loop3A_220 = arith.index_cast %parallel_loop3A_95 : i32 to index
          %parallel_loop3A_221 = arith.constant 176 : index
          %parallel_loop3A_222 = tpu.vector_load %arg11[%parallel_loop3A_220, %parallel_loop3A_221] {strides = array<i32>} : memref<56x192xf32, #tpu.memory_space<vmem>>, vector<16xf32>,
          %parallel_loop3A_223 = arith.mulf %parallel_loop3A_219, %get3A_9 : vector<16xf32>
          %parallel_loop3A_224 = arith.addf %parallel_loop3A_223, %get3A_5 : vector<16xf32>
          %parallel_loop3A_225 = arith.fptosi %parallel_loop3A_224 : vector<16xf32> to vector<16xi32>
          %parallel_loop3A_226 = arith.andi %parallel_loop3A_225, %broadcast_in_dim3A_12 : vector<16xi32>
          %parallel_loop3A_227 = arith.ori %parallel_loop3A_226, %iota3A : vector<16xi32>
          tpu.vector_store_idx %arg13[%parallel_loop3A_227], %broadcast_in_dim3A_10 {add = true} : memref<9632xf32, #tpu.memory_space<vmem>>[vector<16xi32>], vector<16xf32>,
          tpu.vector_store_idx %arg14[%parallel_loop3A_227], %parallel_loop3A_222 {add = true} : memref<9632xf32, #tpu.memory_space<vmem>>[vector<16xi32>], vector<16xf32>,
        } {sc.loop_unroll_factor = 1 : i64, sc.parallel_access}
        %add3A_88 = arith.constant 2 : i32
        %add3A_89 = arith.addi %add3A_63, %add3A_88 : i32
        %lt3A_90 = arith.constant 56 : i32
        %lt3A_91 = arith.cmpi slt, %add3A_89, %lt3A_90 : i32
        %convert_element_type3A_92 = arith.extui %lt3A_91 : i1 to i32
        %cond3A_93 = arith.constant 0 : i32
        %cond3A_94 = arith.cmpi ne, %convert_element_type3A_92, %cond3A_93 : i32
        scf.if %cond3A_94 {
          %add3A_95 = arith.constant 2 : i32
          %add3A_96 = arith.addi %add3A_63, %add3A_95 : i32
          %add3A_97 = arith.addi %mul3A_2, %add3A_96 : i32
          %dma_start3A_98 = arith.constant 0 : i32
          %dma_start3A_99 = arith.constant 0 : i32
          %dma_start3A_100 = tpu.memref_slice %arg2[%add3A_97, %dma_start3A_98, %dma_start3A_99] : memref<1792x56x192xf32, #tpu.memory_space<hbm>> -> memref<1x56x192xf32, #tpu.memory_space<hbm>>
          %dma_start3A_101 = tpu.memref_squeeze %dma_start3A_100 : memref<1x56x192xf32, #tpu.memory_space<hbm>> -> memref<56x192xf32, #tpu.memory_space<hbm>>
          %dma_start3A_102 = arith.constant 0 : i32
          %dma_start3A_103 = arith.constant 0 : i32
          %dma_start3A_104 = tpu.memref_slice %arg2[%add3A_97, %dma_start3A_102, %dma_start3A_103] : memref<1792x56x192xf32, #tpu.memory_space<hbm>> -> memref<1x56x192xf32, #tpu.memory_space<hbm>>
          %dma_start3A_105 = tpu.memref_squeeze %dma_start3A_104 : memref<1x56x192xf32, #tpu.memory_space<hbm>> -> memref<56x192xf32, #tpu.memory_space<hbm>>
          tpu.enqueue_dma source(%dma_start3A_105 : memref<56x192xf32, #tpu.memory_space<hbm>>) target(%arg9 : memref<56x192xf32, #tpu.memory_space<vmem>>) target_semaphore(%arg16 : memref<!tpu.dma_semaphore, #tpu.memory_space<semaphore_mem>>)
          %dma_start3A_106 = arith.constant 0 : i32
          %dma_start3A_107 = arith.constant 0 : i32
          %dma_start3A_108 = tpu.memref_slice %arg3[%add3A_97, %dma_start3A_106, %dma_start3A_107] : memref<1792x56x192xf32, #tpu.memory_space<hbm>> -> memref<1x56x192xf32, #tpu.memory_space<hbm>>
          %dma_start3A_109 = tpu.memref_squeeze %dma_start3A_108 : memref<1x56x192xf32, #tpu.memory_space<hbm>> -> memref<56x192xf32, #tpu.memory_space<hbm>>
          %dma_start3A_110 = arith.constant 0 : i32
          %dma_start3A_111 = arith.constant 0 : i32
          %dma_start3A_112 = tpu.memref_slice %arg3[%add3A_97, %dma_start3A_110, %dma_start3A_111] : memref<1792x56x192xf32, #tpu.memory_space<hbm>> -> memref<1x56x192xf32, #tpu.memory_space<hbm>>
          %dma_start3A_113 = tpu.memref_squeeze %dma_start3A_112 : memref<1x56x192xf32, #tpu.memory_space<hbm>> -> memref<56x192xf32, #tpu.memory_space<hbm>>
          tpu.enqueue_dma source(%dma_start3A_113 : memref<56x192xf32, #tpu.memory_space<hbm>>) target(%arg11 : memref<56x192xf32, #tpu.memory_space<vmem>>) target_semaphore(%arg16 : memref<!tpu.dma_semaphore, #tpu.memory_space<semaphore_mem>>)
        } else {
        }
      } else {
      }
    }
    %scan3A_52 = arith.constant 28 : i32
    "tpu.region"() ({
      %run_scoped3A = tpu.sem_alloc : memref<!tpu.dma_semaphore, #tpu.memory_space<semaphore_mem>>
      %dma_start3A_53 = arith.constant 0 : i32
      %dma_start3A_54 = tpu.memref_slice %arg6[%add3A, %dma_start3A_53] : memref<32x9632xf32, #tpu.memory_space<hbm>> -> memref<1x9632xf32, #tpu.memory_space<hbm>>
      %dma_start3A_55 = tpu.memref_squeeze %dma_start3A_54 : memref<1x9632xf32, #tpu.memory_space<hbm>> -> memref<9632xf32, #tpu.memory_space<hbm>>
      %dma_start3A_56 = arith.constant 0 : i32
      %dma_start3A_57 = tpu.memref_slice %arg6[%add3A, %dma_start3A_56] : memref<32x9632xf32, #tpu.memory_space<hbm>> -> memref<1x9632xf32, #tpu.memory_space<hbm>>
      %dma_start3A_58 = tpu.memref_squeeze %dma_start3A_57 : memref<1x9632xf32, #tpu.memory_space<hbm>> -> memref<9632xf32, #tpu.memory_space<hbm>>
      tpu.enqueue_dma source(%arg13 : memref<9632xf32, #tpu.memory_space<vmem>>) target(%dma_start3A_58 : memref<9632xf32, #tpu.memory_space<hbm>>) target_semaphore(%run_scoped3A : memref<!tpu.dma_semaphore, #tpu.memory_space<semaphore_mem>>)
      %dma_wait3A = arith.constant 0 : i32
      %dma_wait3A_59 = tpu.memref_slice %arg6[%add3A, %dma_wait3A] : memref<32x9632xf32, #tpu.memory_space<hbm>> -> memref<1x9632xf32, #tpu.memory_space<hbm>>
      %dma_wait3A_60 = tpu.memref_squeeze %dma_wait3A_59 : memref<1x9632xf32, #tpu.memory_space<hbm>> -> memref<9632xf32, #tpu.memory_space<hbm>>
      %dma_wait3A_61 = arith.constant 0 : i32
      %dma_wait3A_62 = tpu.memref_slice %arg6[%add3A, %dma_wait3A_61] : memref<32x9632xf32, #tpu.memory_space<hbm>> -> memref<1x9632xf32, #tpu.memory_space<hbm>>
      %dma_wait3A_63 = tpu.memref_squeeze %dma_wait3A_62 : memref<1x9632xf32, #tpu.memory_space<hbm>> -> memref<9632xf32, #tpu.memory_space<hbm>>
      tpu.wait_dma2 semaphore(%run_scoped3A : memref<!tpu.dma_semaphore, #tpu.memory_space<semaphore_mem>>) src(%arg13 : memref<9632xf32, #tpu.memory_space<vmem>>) dst(%dma_wait3A_63 : memref<9632xf32, #tpu.memory_space<hbm>>)
      tpu.yield
    }) : () -> ()
    "tpu.region"() ({
      %run_scoped3A = tpu.sem_alloc : memref<!tpu.dma_semaphore, #tpu.memory_space<semaphore_mem>>
      %dma_start3A_53 = arith.constant 0 : i32
      %dma_start3A_54 = tpu.memref_slice %arg7[%add3A, %dma_start3A_53] : memref<32x9632xf32, #tpu.memory_space<hbm>> -> memref<1x9632xf32, #tpu.memory_space<hbm>>
      %dma_start3A_55 = tpu.memref_squeeze %dma_start3A_54 : memref<1x9632xf32, #tpu.memory_space<hbm>> -> memref<9632xf32, #tpu.memory_space<hbm>>
      %dma_start3A_56 = arith.constant 0 : i32
      %dma_start3A_57 = tpu.memref_slice %arg7[%add3A, %dma_start3A_56] : memref<32x9632xf32, #tpu.memory_space<hbm>> -> memref<1x9632xf32, #tpu.memory_space<hbm>>
      %dma_start3A_58 = tpu.memref_squeeze %dma_start3A_57 : memref<1x9632xf32, #tpu.memory_space<hbm>> -> memref<9632xf32, #tpu.memory_space<hbm>>
      tpu.enqueue_dma source(%arg14 : memref<9632xf32, #tpu.memory_space<vmem>>) target(%dma_start3A_58 : memref<9632xf32, #tpu.memory_space<hbm>>) target_semaphore(%run_scoped3A : memref<!tpu.dma_semaphore, #tpu.memory_space<semaphore_mem>>)
      %dma_wait3A = arith.constant 0 : i32
      %dma_wait3A_59 = tpu.memref_slice %arg7[%add3A, %dma_wait3A] : memref<32x9632xf32, #tpu.memory_space<hbm>> -> memref<1x9632xf32, #tpu.memory_space<hbm>>
      %dma_wait3A_60 = tpu.memref_squeeze %dma_wait3A_59 : memref<1x9632xf32, #tpu.memory_space<hbm>> -> memref<9632xf32, #tpu.memory_space<hbm>>
      %dma_wait3A_61 = arith.constant 0 : i32
      %dma_wait3A_62 = tpu.memref_slice %arg7[%add3A, %dma_wait3A_61] : memref<32x9632xf32, #tpu.memory_space<hbm>> -> memref<1x9632xf32, #tpu.memory_space<hbm>>
      %dma_wait3A_63 = tpu.memref_squeeze %dma_wait3A_62 : memref<1x9632xf32, #tpu.memory_space<hbm>> -> memref<9632xf32, #tpu.memory_space<hbm>>
      tpu.wait_dma2 semaphore(%run_scoped3A : memref<!tpu.dma_semaphore, #tpu.memory_space<semaphore_mem>>) src(%arg14 : memref<9632xf32, #tpu.memory_space<vmem>>) dst(%dma_wait3A_63 : memref<9632xf32, #tpu.memory_space<hbm>>)
      tpu.yield
    }) : () -> ()
    return
  }
}

module attributes {stable_mosaic.version = 14 : i64} {
  func.func @_combine_body(%arg0: memref<32x602x16xf32, #tpu.memory_space<vmem>>, %arg1: memref<32x602x16xf32, #tpu.memory_space<vmem>>, %arg2: memref<1x1xf32, #tpu.memory_space<smem>>) attributes {dimension_semantics = [], scalar_prefetch = 0 : i64, scratch_operands = 0 : i64, tpu.core_type = #tpu.core_type<tc>} {
    %get3A = arith.constant 0 : index
    %get3A_0 = arith.constant 0 : index
    %get3A_1 = arith.constant 0 : index
    %get3A_2 = vector.load %arg0[%get3A, %get3A_0, %get3A_1] : memref<32x602x16xf32, #tpu.memory_space<vmem>>, vector<32x602x16xf32>
    %reduce_sum3A = arith.constant dense<0.000000e+00> : vector<602x16xf32>
    %reduce_sum3A_3 = vector.multi_reduction <add>, %get3A_2, %reduce_sum3A [0] : vector<32x602x16xf32> to vector<602x16xf32>
    %reduce_sum3A_4 = arith.constant dense<0.000000e+00> : vector<602xf32>
    %reduce_sum3A_5 = vector.multi_reduction <add>, %reduce_sum3A_3, %reduce_sum3A_4 [1] : vector<602x16xf32> to vector<602xf32>
    %get3A_6 = arith.constant 0 : index
    %get3A_7 = arith.constant 0 : index
    %get3A_8 = arith.constant 0 : index
    %get3A_9 = vector.load %arg1[%get3A_6, %get3A_7, %get3A_8] : memref<32x602x16xf32, #tpu.memory_space<vmem>>, vector<32x602x16xf32>
    %reduce_sum3A_10 = arith.constant dense<0.000000e+00> : vector<602x16xf32>
    %reduce_sum3A_11 = vector.multi_reduction <add>, %get3A_9, %reduce_sum3A_10 [0] : vector<32x602x16xf32> to vector<602x16xf32>
    %reduce_sum3A_12 = arith.constant dense<0.000000e+00> : vector<602xf32>
    %reduce_sum3A_13 = vector.multi_reduction <add>, %reduce_sum3A_11, %reduce_sum3A_12 [1] : vector<602x16xf32> to vector<602xf32>
    %iota3A = tpu.iota {dimensions = array<i32: 1>} : vector<1x600xi32>
    %iota3A_14 = vector.shape_cast %iota3A : vector<1x600xi32> to vector<600xi32>
    %eq3A = arith.constant 599 : i32
    %eq3A_15 = vector.broadcast %eq3A : i32 to vector<600xi32>
    %eq3A_16 = arith.cmpi eq, %iota3A_14, %eq3A_15 : vector<600xi32>
    %slice3A = vector.extract_strided_slice %reduce_sum3A_5 {offsets = [0], sizes = [600], strides = [1]} : vector<602xf32> to vector<600xf32>
    %slice3A_17 = vector.extract_strided_slice %reduce_sum3A_5 {offsets = [600], sizes = [1], strides = [1]} : vector<602xf32> to vector<1xf32>
    %squeeze3A = vector.extract %slice3A_17[0] : f32 from vector<1xf32>
    %slice3A_18 = vector.extract_strided_slice %reduce_sum3A_5 {offsets = [601], sizes = [1], strides = [1]} : vector<602xf32> to vector<1xf32>
    %squeeze3A_19 = vector.extract %slice3A_18[0] : f32 from vector<1xf32>
    %add3A = arith.addf %squeeze3A, %squeeze3A_19 : f32
    %jit3A = arith.constant 0.000000e+00 : f32
    %broadcast_in_dim3A = vector.broadcast %add3A : f32 to vector<600xf32>
    %broadcast_in_dim3A_20 = vector.broadcast %jit3A : f32 to vector<600xf32>
    %select_n3A = arith.select %eq3A_16, %broadcast_in_dim3A, %broadcast_in_dim3A_20 : vector<600xi1>, vector<600xf32>
    %add3A_21 = arith.addf %slice3A, %select_n3A : vector<600xf32>
    %slice3A_22 = vector.extract_strided_slice %reduce_sum3A_13 {offsets = [0], sizes = [600], strides = [1]} : vector<602xf32> to vector<600xf32>
    %slice3A_23 = vector.extract_strided_slice %reduce_sum3A_13 {offsets = [600], sizes = [1], strides = [1]} : vector<602xf32> to vector<1xf32>
    %squeeze3A_24 = vector.extract %slice3A_23[0] : f32 from vector<1xf32>
    %slice3A_25 = vector.extract_strided_slice %reduce_sum3A_13 {offsets = [601], sizes = [1], strides = [1]} : vector<602xf32> to vector<1xf32>
    %squeeze3A_26 = vector.extract %slice3A_25[0] : f32 from vector<1xf32>
    %add3A_27 = arith.addf %squeeze3A_24, %squeeze3A_26 : f32
    %jit3A_28 = arith.constant 0.000000e+00 : f32
    %broadcast_in_dim3A_29 = vector.broadcast %add3A_27 : f32 to vector<600xf32>
    %broadcast_in_dim3A_30 = vector.broadcast %jit3A_28 : f32 to vector<600xf32>
    %select_n3A_31 = arith.select %eq3A_16, %broadcast_in_dim3A_29, %broadcast_in_dim3A_30 : vector<600xi1>, vector<600xf32>
    %add3A_32 = arith.addf %slice3A_22, %select_n3A_31 : vector<600xf32>
    %mul3A = arith.mulf %add3A_21, %add3A_21 : vector<600xf32>
    %reduce_sum3A_33 = vector.shape_cast %mul3A : vector<600xf32> to vector<1x600xf32>
    %reduce_sum3A_34 = arith.constant dense<0.000000e+00> : vector<1xf32>
    %reduce_sum3A_35 = vector.multi_reduction <add>, %reduce_sum3A_33, %reduce_sum3A_34 [1] : vector<1x600xf32> to vector<1xf32>
    %reduce_sum3A_36 = vector.shape_cast %reduce_sum3A_35 : vector<1xf32> to vector<1x1xf32>
    %reduce_sum3A_37 = vector.extract %reduce_sum3A_36[0, 0] : f32 from vector<1x1xf32>
    %div3A = vector.broadcast %reduce_sum3A_37 : f32 to vector<600xf32>
    %div3A_38 = arith.divf %add3A_21, %div3A : vector<600xf32>
    %exp3A = math.exp %div3A_38 : vector<600xf32>
    %mul3A_39 = arith.mulf %exp3A, %add3A_32 : vector<600xf32>
    %reduce_sum3A_40 = vector.shape_cast %mul3A_39 : vector<600xf32> to vector<1x600xf32>
    %reduce_sum3A_41 = arith.constant dense<0.000000e+00> : vector<1xf32>
    %reduce_sum3A_42 = vector.multi_reduction <add>, %reduce_sum3A_40, %reduce_sum3A_41 [1] : vector<1x600xf32> to vector<1xf32>
    %reduce_sum3A_43 = vector.shape_cast %reduce_sum3A_42 : vector<1xf32> to vector<1x1xf32>
    %reduce_sum3A_44 = vector.extract %reduce_sum3A_43[0, 0] : f32 from vector<1x1xf32>
    %div3A_45 = arith.constant 0x4B930000 : f32
    %div3A_46 = arith.divf %reduce_sum3A_44, %div3A_45 : f32
    %swap3A = arith.constant 0 : index
    %swap3A_47 = arith.constant 0 : index
    %swap3A_48 = memref.load %arg2[%swap3A, %swap3A_47] : memref<1x1xf32, #tpu.memory_space<smem>>
    memref.store %div3A_46, %arg2[%swap3A, %swap3A_47] : memref<1x1xf32, #tpu.memory_space<smem>>
    return
  }
}

module attributes {stable_mosaic.version = 14 : i64} {
  func.func @_minmax_body(%arg0: i32, %arg1: memref<3584x192xf32, #tpu.memory_space<vmem>>, %arg2: memref<3584x192xf32, #tpu.memory_space<vmem>>, %arg3: memref<2x16xf32, #tpu.memory_space<vmem>>, %arg4: memref<3584x192xf32, #tpu.memory_space<vmem>>, %arg5: memref<2x1xf32, #tpu.memory_space<smem>>) attributes {dimension_semantics = [#tpu.dimension_semantics<arbitrary>], iteration_bounds = array<i64: 28>, scalar_prefetch = 0 : i64, scratch_operands = 1 : i64, tpu.core_type = #tpu.core_type<tc>, window_params = [{transform_indices = @transform_0, window_bounds = array<i64: 3584, 192>}, {transform_indices = @transform_1, window_bounds = array<i64: 3584, 192>}, {pipeline_mode = #tpu.pipeline_mode<synchronous>, transform_indices = @transform_2, window_bounds = array<i64: 2, 16>}, {transform_indices = @transform_3, window_bounds = array<i64: 3584, 192>}]} {
    %get3A = arith.constant 0 : index
    %get3A_0 = arith.constant 0 : index
    %get3A_1 = vector.load %arg1[%get3A, %get3A_0] : memref<3584x192xf32, #tpu.memory_space<vmem>>, vector<3584x192xf32>
    %abs3A = math.absf %get3A_1 : vector<3584x192xf32>
    %mul3A = arith.constant 1.000000e-01 : f32
    %mul3A_2 = vector.broadcast %mul3A : f32 to vector<3584x192xf32>
    %mul3A_3 = arith.mulf %abs3A, %mul3A_2 : vector<3584x192xf32>
    %exp3A = math.exp %mul3A_3 : vector<3584x192xf32>
    %get3A_4 = arith.constant 0 : index
    %get3A_5 = arith.constant 0 : index
    %get3A_6 = vector.load %arg2[%get3A_4, %get3A_5] : memref<3584x192xf32, #tpu.memory_space<vmem>>, vector<3584x192xf32>
    %sub3A = arith.subf %get3A_6, %get3A_1 : vector<3584x192xf32>
    %abs3A_7 = math.absf %sub3A : vector<3584x192xf32>
    %mul3A_8 = arith.mulf %exp3A, %abs3A_7 : vector<3584x192xf32>
    %swap3A = arith.constant 0 : index
    %swap3A_9 = arith.constant 0 : index
    %swap3A_10 = vector.load %arg4[%swap3A, %swap3A_9] : memref<3584x192xf32, #tpu.memory_space<vmem>>, vector<3584x192xf32>
    tpu.vector_store %arg4[%swap3A, %swap3A_9], %mul3A_8 {strides = array<i32>} : memref<3584x192xf32, #tpu.memory_space<vmem>>, vector<3584x192xf32>,
    %reduce_min3A = vector.shape_cast %get3A_1 : vector<3584x192xf32> to vector<1x3584x192xf32>
    %reduce_min3A_11 = arith.constant dense<0x7F800000> : vector<1xf32>
    %reduce_min3A_12 = vector.multi_reduction <minimumf>, %reduce_min3A, %reduce_min3A_11 [1, 2] : vector<1x3584x192xf32> to vector<1xf32>
    %reduce_min3A_13 = vector.shape_cast %reduce_min3A_12 : vector<1xf32> to vector<1x1x1xf32>
    %reduce_min3A_14 = vector.extract %reduce_min3A_13[0, 0, 0] : f32 from vector<1x1x1xf32>
    %reduce_max3A = vector.shape_cast %get3A_1 : vector<3584x192xf32> to vector<1x3584x192xf32>
    %reduce_max3A_15 = arith.constant dense<0xFF800000> : vector<1xf32>
    %reduce_max3A_16 = vector.multi_reduction <maximumf>, %reduce_max3A, %reduce_max3A_15 [1, 2] : vector<1x3584x192xf32> to vector<1xf32>
    %reduce_max3A_17 = vector.shape_cast %reduce_max3A_16 : vector<1xf32> to vector<1x1x1xf32>
    %reduce_max3A_18 = vector.extract %reduce_max3A_17[0, 0, 0] : f32 from vector<1x1x1xf32>
    %eq3A = arith.constant 0 : i32
    %eq3A_19 = arith.cmpi eq, %arg0, %eq3A : i32
    %convert_element_type3A = arith.extui %eq3A_19 : i1 to i32
    %cond3A = arith.constant 0 : i32
    %cond3A_20 = arith.cmpi ne, %convert_element_type3A, %cond3A : i32
    scf.if %cond3A_20 {
      %swap3A_30 = arith.constant 0 : index
      %swap3A_31 = arith.constant 0 : index
      %swap3A_32 = memref.load %arg5[%swap3A_30, %swap3A_31] : memref<2x1xf32, #tpu.memory_space<smem>>
      memref.store %reduce_min3A_14, %arg5[%swap3A_30, %swap3A_31] : memref<2x1xf32, #tpu.memory_space<smem>>
      %swap3A_33 = arith.constant 1 : index
      %swap3A_34 = arith.constant 0 : index
      %swap3A_35 = memref.load %arg5[%swap3A_33, %swap3A_34] : memref<2x1xf32, #tpu.memory_space<smem>>
      memref.store %reduce_max3A_18, %arg5[%swap3A_33, %swap3A_34] : memref<2x1xf32, #tpu.memory_space<smem>>
    } else {
    }
    %gt3A = arith.constant 0 : i32
    %gt3A_21 = arith.cmpi sgt, %arg0, %gt3A : i32
    %convert_element_type3A_22 = arith.extui %gt3A_21 : i1 to i32
    %cond3A_23 = arith.constant 0 : i32
    %cond3A_24 = arith.cmpi ne, %convert_element_type3A_22, %cond3A_23 : i32
    scf.if %cond3A_24 {
      %get3A_30 = arith.constant 0 : index
      %get3A_31 = arith.constant 0 : index
      %get3A_32 = memref.load %arg5[%get3A_30, %get3A_31] : memref<2x1xf32, #tpu.memory_space<smem>>
      %min3A = arith.minimumf %get3A_32, %reduce_min3A_14 : f32
      %swap3A_33 = arith.constant 0 : index
      %swap3A_34 = arith.constant 0 : index
      %swap3A_35 = memref.load %arg5[%swap3A_33, %swap3A_34] : memref<2x1xf32, #tpu.memory_space<smem>>
      memref.store %min3A, %arg5[%swap3A_33, %swap3A_34] : memref<2x1xf32, #tpu.memory_space<smem>>
      %get3A_36 = arith.constant 1 : index
      %get3A_37 = arith.constant 0 : index
      %get3A_38 = memref.load %arg5[%get3A_36, %get3A_37] : memref<2x1xf32, #tpu.memory_space<smem>>
      %max3A = arith.maximumf %get3A_38, %reduce_max3A_18 : f32
      %swap3A_39 = arith.constant 1 : index
      %swap3A_40 = arith.constant 0 : index
      %swap3A_41 = memref.load %arg5[%swap3A_39, %swap3A_40] : memref<2x1xf32, #tpu.memory_space<smem>>
      memref.store %max3A, %arg5[%swap3A_39, %swap3A_40] : memref<2x1xf32, #tpu.memory_space<smem>>
    } else {
    }
    %eq3A_25 = arith.constant 27 : i32
    %eq3A_26 = arith.cmpi eq, %arg0, %eq3A_25 : i32
    %convert_element_type3A_27 = arith.extui %eq3A_26 : i1 to i32
    %cond3A_28 = arith.constant 0 : i32
    %cond3A_29 = arith.cmpi ne, %convert_element_type3A_27, %cond3A_28 : i32
    scf.if %cond3A_29 {
      %get3A_30 = arith.constant 0 : index
      %get3A_31 = arith.constant 0 : index
      %get3A_32 = memref.load %arg5[%get3A_30, %get3A_31] : memref<2x1xf32, #tpu.memory_space<smem>>
      %get3A_33 = arith.constant 1 : index
      %get3A_34 = arith.constant 0 : index
      %get3A_35 = memref.load %arg5[%get3A_33, %get3A_34] : memref<2x1xf32, #tpu.memory_space<smem>>
      %sub3A_36 = arith.subf %get3A_35, %get3A_32 : f32
      %div3A = arith.constant 9.600000e+03 : f32
      %div3A_37 = arith.divf %div3A, %sub3A_36 : f32
      %neg3A = arith.constant 0.000000e+00 : f32
      %neg3A_38 = arith.subf %neg3A, %get3A_32 : f32
      %mul3A_39 = arith.mulf %neg3A_38, %div3A_37 : f32
      %broadcast_in_dim3A = vector.broadcast %mul3A_39 : f32 to vector<16xf32>
      %swap3A_40 = arith.constant 0 : index
      %swap3A_41 = arith.constant 0 : index
      %swap3A_42 = vector.load %arg3[%swap3A_40, %swap3A_41] : memref<2x16xf32, #tpu.memory_space<vmem>>, vector<1x16xf32>
      %swap3A_43 = vector.shape_cast %swap3A_42 : vector<1x16xf32> to vector<16xf32>
      %swap3A_44 = vector.shape_cast %broadcast_in_dim3A : vector<16xf32> to vector<1x16xf32>
      tpu.vector_store %arg3[%swap3A_40, %swap3A_41], %swap3A_44 {strides = array<i32>} : memref<2x16xf32, #tpu.memory_space<vmem>>, vector<1x16xf32>,
      %broadcast_in_dim3A_45 = vector.broadcast %div3A_37 : f32 to vector<16xf32>
      %swap3A_46 = arith.constant 1 : index
      %swap3A_47 = arith.constant 0 : index
      %swap3A_48 = vector.load %arg3[%swap3A_46, %swap3A_47] : memref<2x16xf32, #tpu.memory_space<vmem>>, vector<1x16xf32>
      %swap3A_49 = vector.shape_cast %swap3A_48 : vector<1x16xf32> to vector<16xf32>
      %swap3A_50 = vector.shape_cast %broadcast_in_dim3A_45 : vector<16xf32> to vector<1x16xf32>
      tpu.vector_store %arg3[%swap3A_46, %swap3A_47], %swap3A_50 {strides = array<i32>} : memref<2x16xf32, #tpu.memory_space<vmem>>, vector<1x16xf32>,
    } else {
    }
    return
  }
  func.func @transform_0(%arg0: i32) -> (i32, i32) {
    %c0_i32 = arith.constant 0 : i32
    %c0_i32_0 = arith.constant 0 : i32
    return %arg0, %c0_i32 : i32, i32
  }
  func.func @transform_1(%arg0: i32) -> (i32, i32) {
    %c0_i32 = arith.constant 0 : i32
    %c0_i32_0 = arith.constant 0 : i32
    return %arg0, %c0_i32 : i32, i32
  }
  func.func @transform_2(%arg0: i32) -> (i32, i32) {
    %c0_i32 = arith.constant 0 : i32
    %c0_i32_0 = arith.constant 0 : i32
    %c0_i32_1 = arith.constant 0 : i32
    return %c0_i32, %c0_i32_0 : i32, i32
  }
  func.func @transform_3(%arg0: i32) -> (i32, i32) {
    %c0_i32 = arith.constant 0 : i32
    %c0_i32_0 = arith.constant 0 : i32
    return %arg0, %c0_i32 : i32, i32
  }
}

</mosaic_0001>

<sc_bundles>
// kernel: kernel.5.cloned.1.call-start
scs
__scs_entry_jumppad:
0x0: {  	(pc) =	sbr.rel $0x88, $3  }
0x1: {  	(tag) =	ssettag $0x0;
	lr =	simm.s32 $0x1  }
0x2: {  	[smem:$0x3F9F] =	sst lr;
	_ =	strace $0xD0000000  }
0x3: {  	_ = 	snop  }
0x4: {  	_ = 	snop  }
0x5: {  	_ = 	snop  }
0x6: {  	_ = 	snop  }
0x7: {  	_ = 	snop  }
__scs_overlays_trampoline_lowered:
0x8: {  	[smem:$0x3FAE] =	sst s0  }
0x9: {  	[smem:$0x3FAF] =	sst s1  }
0xa: {  	[smem:$0x3FB0] =	sst s2  }
0xb: {  	[smem:$0x3FB1] =	sst s3  }
0xc: {  	[smem:$0x3FB2] =	sst s4  }
0xd: {  	[smem:$0x3FB3] =	sst s5  }
0xe: {  	[smem:$0x3FB4] =	sst s6  }
0xf: {  	[smem:$0x3FB5] =	sst s7  }
0x10: {  	[smem:$0x3FB6] =	sst s8  }
0x11: {  	[smem:$0x3FB7] =	sst s9;
	s0 =	simm.s32 @!p0 $0x0  }
0x12: {  	s1 =	sld [smem:$0x3F9D];
	s0 =	simm.s32 @p0 $0x1  }
0x13: {  	[smem:$0x3FB8] =	sst s0;
	s0 =	simm.s32 @!p1 $0x0  }
0x14: {  	s2 =	sld [smem:$0x3F9C];
	s0 =	simm.s32 @p1 $0x1  }
0x15: {  	[smem:$0x3FB9] =	sst s0;
	s0 =	simm.s32 @!p2 $0x0  }
0x16: {  	s3 =	sld [smem:$0x3FDB];
	s0 =	simm.s32 @p2 $0x1  }
0x17: {  	s4 =	simm.s32 $0x1BF5;
	[smem:$0x3FBB] =	sst s0  }
0x18: {  	s0 =	sld [smem:$0x3F9E];
	_ =	swait.ge [sflag:s4], $0x0  }
0x19: {  	s7 =	sld [smem:$0x3F9F]  }
0x1a: {  	s8 =	sadd.s32 $0xFFFFE003, lr  }
0x1b: {  	s9 =	sadd.s32 $0xFFFFFEF7, lr;
	s5 =	simm.s32 $0xFFFFFFFF;
	p2 =	slt.u32 s8, $0xFFFFF086  }
0x1c: {  	p1 =	slt.u32 s9, $0xF7A;
	s5 =	simm.s32 @!p2 $0x0  }
0x1d: {  	s5 =	simm.s32 @p1 $0x1;
	p0 =	seq.s32 s7, s2  }
0x1e: {  	s7 =	smul.u32 @!p0 $0xF7A, s2;
	p2 =	seq.s32 @!p0 s5, $0x0  }
0x1f: {  	s9 =	smul.u32 $0xF7A, s1;
	s8 =	simm.s32 @!p0 $0x1BF5;
	p2 =	por !p2, p0  }
0x20: {  	[sflag:s8] =	ssyncset.s32 @!p0 $0xFFFFF086;
	s6 =	sadd.s32 @!p0 s3, s7;
	s7 =	simm.s32 @!p0 $0x108  }
0x21: {  	s3 =	sadd.s32 s3, s9;
	s6 =	sadd.s32 @!p0 $0x88, s6;
	s7 =	simm.s32 @p2 $0x1082  }
0x22: {  	[simem:s7], [sflag:s8] =	dma.local @!p0 [hbm:s6], $0xF7A  }
0x23: {  	s9 =	sor.u32 $0xD0000000, s2;
	s6 =	simm.s32 $0x108;
	_ =	swait.ge @!p0 [sflag:s8], $0x0  }
0x24: {  	s3 =	sadd.s32 $0x88, s3;
	s6 =	simm.s32 @!p1 $0x1082;
	[sflag:s4] =	ssyncset.s32 $0xFFFFF086  }
0x25: {  	[simem:s6], [sflag:s4] =	dma.local [hbm:s3], $0xF7A  }
0x26: {  	[smem:$0x3F9F] =	sst s1;
	(tag) =	ssettag s2;
	_ =	strace s9  }
0x27: {  	s1 =	sld [smem:$0x3FAF]  }
0x28: {  	s2 =	sld [smem:$0x3FB0]  }
0x29: {  	s4 =	sld [smem:$0x3FB2]  }
0x2a: {  	p0 =	seq.s32 s5, $0x0;
	s5 =	sld [smem:$0x3FB3]  }
0x2b: {  	s6 =	sld [smem:$0x3FB4]  }
0x2c: {  	s7 =	sld [smem:$0x3FB5]  }
0x2d: {  	s3 =	simm.s32 $0x108;
	s8 =	sld [smem:$0x3FB6]  }
0x2e: {  	s3 =	simm.s32 @!p0 $0x1082;
	s9 =	sld [smem:$0x3FB7]  }
0x2f: {  	lr =	sadd.s32 s0, s3;
	s0 =	sld [smem:$0x3FAE]  }
0x30: {  	s3 =	sld [smem:$0x3FB1]  }
0x31: {  	[smem:$0x3FBA] =	sst s10  }
0x32: {  	s10 =	sld [smem:$0x3FB8];
	_ =	sdelay $0x3  }
0x33: {  	p0 =	seq.s32 s10, $0x1;
	s10 =	sld [smem:$0x3FBA];
	_ =	sdelay $0x3  }
0x34: {  	[smem:$0x3FBA] =	sst s10  }
0x35: {  	s10 =	sld [smem:$0x3FB9];
	_ =	sdelay $0x3  }
0x36: {  	p1 =	seq.s32 s10, $0x1;
	s10 =	sld [smem:$0x3FBA];
	_ =	sdelay $0x3  }
0x37: {  	[smem:$0x3FBA] =	sst s10  }
0x38: {  	s10 =	sld [smem:$0x3FBB]  }
0x39: {  	_ = 	snop;
	(pc) =	sbr.ind lr, $3  }
0x3a: {  	_ = 	snop  }
0x3b: {  	_ = 	snop  }
0x3c: {  	p2 =	seq.s32 s10, $0x1;
	s10 =	sld [smem:$0x3FBA]  }
0x3d: {  	_ =	shalt  }
0x3e: {  	_ =	shalt  }
0x3f: {  	_ =	shalt  }
0x40: {  	_ =	shalt  }
0x41: {  	_ =	shalt  }
0x42: {  	_ =	shalt  }
0x43: {  	_ =	shalt  }
0x44: {  	_ =	shalt  }
0x45: {  	_ =	shalt  }
0x46: {  	_ =	shalt  }
0x47: {  	_ =	shalt  }
0x48: {  	_ =	shalt  }
0x49: {  	_ =	shalt  }
0x4a: {  	_ =	shalt  }
0x4b: {  	_ =	shalt  }
0x4c: {  	_ =	shalt  }
0x4d: {  	_ =	shalt  }
0x4e: {  	_ =	shalt  }
0x4f: {  	_ =	shalt  }
0x50: {  	_ =	shalt  }
0x51: {  	_ =	shalt  }
0x52: {  	_ =	shalt  }
0x53: {  	_ =	shalt  }
0x54: {  	_ =	shalt  }
0x55: {  	_ =	shalt  }
0x56: {  	_ =	shalt  }
0x57: {  	_ =	shalt  }
0x58: {  	_ =	shalt  }
0x59: {  	_ =	shalt  }
0x5a: {  	_ =	shalt  }
0x5b: {  	_ =	shalt  }
0x5c: {  	_ =	shalt  }
0x5d: {  	_ =	shalt  }
0x5e: {  	_ =	shalt  }
0x5f: {  	_ =	shalt  }
0x60: {  	_ =	shalt  }
0x61: {  	_ =	shalt  }
0x62: {  	_ =	shalt  }
0x63: {  	_ =	shalt  }
0x64: {  	_ =	shalt  }
0x65: {  	_ =	shalt  }
0x66: {  	_ =	shalt  }
0x67: {  	_ =	shalt  }
0x68: {  	_ =	shalt  }
0x69: {  	_ =	shalt  }
0x6a: {  	_ =	shalt  }
0x6b: {  	_ =	shalt  }
0x6c: {  	_ =	shalt  }
0x6d: {  	_ =	shalt  }
0x6e: {  	_ =	shalt  }
0x6f: {  	_ =	shalt  }
0x70: {  	_ =	shalt  }
0x71: {  	_ =	shalt  }
0x72: {  	_ =	shalt  }
0x73: {  	_ =	shalt  }
0x74: {  	_ =	shalt  }
0x75: {  	_ =	shalt  }
0x76: {  	_ =	shalt  }
0x77: {  	_ =	shalt  }
0x78: {  	_ =	shalt  }
0x79: {  	_ =	shalt  }
0x7a: {  	_ =	shalt  }
0x7b: {  	_ =	shalt  }
0x7c: {  	_ =	shalt  }
0x7d: {  	_ =	shalt  }
0x7e: {  	_ =	shalt  }
0x7f: {  	_ =	shalt  }
0x80: {  	_ =	shalt  }
0x81: {  	_ =	shalt  }
0x82: {  	_ =	shalt  }
0x83: {  	_ =	shalt  }
0x84: {  	_ =	shalt  }
0x85: {  	_ =	shalt  }
0x86: {  	_ =	shalt  }
0x87: {  	_ =	shalt  }
.Lfunc_end0:
.L_simem_size_0:
called_computation_lowered:
.L_overlay_start_0:
0x88: {  	s2 =	sld [smem:$0x3FD9]  }
0x89: {  	s3 =	sld [smem:$0x3FFE];
	_ =	sdelay $0x1  }
0x8a: {  	s1 =	srdreg.scid  }
0x8b: {  	s0 =	sand.u32 $0x1, s1  }
0x8c: {  	s17 =	sshll.u32 s0, $0xA;
	s2 =	sadd.s32 s3, s2  }
0x8d: {  	s2 =	sadd.s32 s2, s17  }
0x8e: {  	[smem:$0x3FC6] =	sst s2  }
0x8f: {  	_ = 	snop  }
0x90: {  	s2 =	sld [smem:$0x3FC8];
	(tm) =	ssettm $0x1  }
0x91: {  	s18 =	sld [smem:$0x3FFB];
	_ =	sdelay $0x3  }
0x92: {  	_ =	strace s18  }
0x93: {  	s3 =	sld [smem:$0x3FFC];
	_ =	sdelay $0x3  }
0x94: {  	_ =	strace s3  }
0x95: {  	s3 =	sld [smem:$0x3FFD];
	_ =	sdelay $0x3  }
0x96: {  	_ =	strace s3  }
0x97: {  	_ =	strace $0x8FFFFFFF  }
0x98: {  	s19 =	sld [smem:$0x3FDB];
	_ =	sdelay $0x1  }
0x99: {  	s4 =	simm.s32 $_scs_section_size  }
0x9a: {  	s5 =	simm.s32 $_size__tile_overlayer_lowered;
	s6 =	simm.s32 $_tile_overlayer_lowered  }
0x9b: {  	s22 =	simm.s32 $0x1BFF;
	s21 =	sshll.u32 s6, $0x1;
	s3 =	sadd.s32 s4, s19  }
0x9c: {  	s7 =	simm.s32 $0x0;
	s20 =	sshll.u32 s5, $0x1;
	s5 =	sadd.s32 s21, s3  }
0x9d: {  	[timem:s7], [sflag:s22] =	dma.local [hbm:s5], s20  }
0x9e: {  	_ =	swait.ge [sflag:s22], s20  }
0x9f: {  	s4 =	ssub.s32 $0x0, s20;
	[sflag:s22] =	ssyncset.done $0x0  }
0xa0: {  	[sflag:s22] =	ssyncadd.s32 s4;
	_ =	sdelay $0x1  }
0xa1: {  	s23 =	simm.s32 $0x1B8B  }
0xa2: {  	_ =	swait.ge [sflag:s23], $0x1  }
0xa3: {  	[sflag:s23] =	ssyncset.done $0x0  }
0xa4: {  	s25 =	simm.s32 $0x1B8E;
	s24 =	sld [smem:$0x3FFE];
	[sflag:s23] =	ssyncadd.s32 $0xFFFFFFFF  }
0xa5: {  	s26 =	simm.s32 $execute0_lowered;
	[smem:$0x3FD2] =	sst s25  }
0xa6: {  	s5 =	sshll.u32 s26, $0x1;
	_ =	strace $0x80000046;
	[dreg:$0x1] =	wrdreg $0xFFFFFFFF  }
0xa7: {  	s28 =	simm.s32 $_size_execute0_lowered;
	s3 =	sadd.s32 s3, s5;
	[dreg:$0x0] =	wrdreg $0x0  }
0xa8: {  	s5 =	sshll.u32 s28, $0x1;
	[dreg:$0x2] =	wrdreg s3  }
0xa9: {  	[dreg:$0x3] =	wrdreg s5  }
0xaa: {  	[dreg:$0x4] =	wrdreg $0xC0  }
0xab: {  	_ =	task [dreg:s7], $0x5FFFF  }
0xac: {  	[dreg:$0x1] =	wrdreg $0xFFFFFFFF  }
0xad: {  	[dreg:$0x0] =	wrdreg $0x60  }
0xae: {  	[dreg:$0x2] =	wrdreg s2  }
0xaf: {  	[dreg:$0x3] =	wrdreg s24  }
0xb0: {  	[dreg:$0x4] =	wrdreg $0x9  }
0xb1: {  	_ =	task.clear_ibuf [dreg:s7], $0x5FFFF;
	_ =	strace $0x90000046  }
0xb2: {  	s29 =	simm.s32 $0x9;
	_ =	strace $0x80000048  }
0xb3: {  	_ =	swait.ge [sflag:s29], $0x1  }
0xb4: {  	[sflag:s29] =	ssyncadd.s32 $0xFFFFFFFF  }
0xb5: {  	_ =	strace $0x90000048  }
0xb6: {  	_ =	sfence  }
0xb7: {  	s30 =	sld [smem:$0x0];
	_ =	sdelay $0x2  }
0xb8: {  	s31 =	sshll.u32 s1, $0xD;
	s1 =	sshrl.u32 s1, $0x2  }
0xb9: {  	s3 =	sand.u32 $0x4000, s31;
	s1 =	sadd.s32 s1, s30  }
0xba: {  	s0 =	sor.u32 s3, s0;
	s1 =	sshll.u32 s1, $0x11  }
0xbb: {  	s0 =	sor.u32 s1, s0  }
0xbc: {  	s0 =	sadd.s32 $0x8F2B, s0  }
0xbd: {  	[sflag:s0] =	ssyncadd.remote.s32 $0x1  }
0xbe: {  	_ =	sfence.sel $0xFFFF  }
0xbf: {  	[dreg:$0x0] =	wrdreg $0xFFFFFFFF;
	(pc) =	sbr.abs _section_cstart, $3  }
0xc0: {  	[dreg:$0x1] =	wrdreg $0xFFFFFFFF  }
0xc1: {  	_ =	task.clear_ibuf [dreg:s7], $0x2FFFF;
	_ =	strace $0x9FFFFFFF  }
0xc2: {  	(tm) =	ssettm $0x7FFFFFFF  }
0xc3: {  	_ =	shalt  }
tec
execute0_lowered:
.L_overlay_start_1:
0x0: {  	(tag) =	ssettag $0x1  }
0x1: {  	s2 =	rddreg [dreg:$0x0]  }
0x2: {  	s0 =	rddreg [dreg:$0x1]  }
0x3: {  	s1 =	srdreg.scid;
	s6 =	stileid.u32;
	s3 =	simm.s32 $0x0  }
0x4: {  	s17 =	simm.s32 $0x3;
	s18 =	simm.s32 $0xE100;
	s19 =	simm.s32 $0x10700  }
0x5: {  	s21 =	simm.s32 $0x3800;
	s22 =	simm.s32 $0xA800;
	s23 =	simm.s32 $0x1  }
0x6: {  	s24 =	simm.s32 $0x2;
	s28 =	simm.s32 $0x0;
	s1 =	sand.u32 $0x1, s1  }
0x7: {  	s4 =	sshll.u32 s6, $0x1;
	s25 =	sshrl.u32 s6, $0x2;
	[smem:$0x7FF] =	sst s3  }
0x8: {  	s8 =	sadd.s32 $0x310C00, s0;
	s5 =	sor.u32 s1, s4;
	s6 =	smul.u32 $0x13000, s25  }
0x9: {  	_ =	strace $0x80000047;
	s4 =	sadd.s32 $0xC00, s0;
	[dreg:$0x3] =	wrdreg s8  }
0xa: {  	s1 =	ssub.s32 $0x2, s1;
	s26 =	sshll.u32 s5, $0x7;
	s29 =	smul.u32 $0x18800, s5  }
0xb: {  	s30 =	sshrl.u32 s1, $0x1;
	s5 =	smul.u32 $0x38, s5;
	s7 =	sand.u32 $0x380, s26  }
0xc: {  	s1 =	ssub.s32 s1, s30;
	s6 =	sor.u32 s6, s7;
	s31 =	sor.u32 $0x700, s29  }
.Ltmp0:
0xd: {  	s9 =	sadd.s32 s2, s29;
	s8 =	sadd.s32 s4, s29;
	(pc) =	sbr.rel .LBB2_1-.Ltmp0, $4  }
0xe: {  	s11 =	sor.u32 $0x2, s5;
	s12 =	sor.u32 $0x3, s5;
	s15 =	smax.u32 s1, $0x1  }
0xf: {  	s7 =	sshrl.u32 s6, $0x3;
	s6 =	sadd.s32 $0x310E00, s0;
	[dreg:$0x4] =	wrdreg s9  }
0x10: {  	[dreg:$0x5] =	wrdreg s8;
	s9 =	sadd.s32 s2, s31;
	s0 =	sadd.s32 s7, s0  }
0x11: {  	v0 =	vlaneseq.u32;
	v1 =	vimm.f32 $1.000000000e+00;
	s10 =	sadd.s32 s4, s31;
	s13 =	sadd.s32 $0x311400, s0;
	s14 =	sadd.s32 $0x31AC00, s0  }
.LBB2_8:
0x12: {  	s0 =	simm.s32 $0x80;
	s1 =	simm.s32 $0x400  }
0x13: {  	[hbm4b:s13+s0] =	stream.strided.scatter [tilespmem:s18], [sflag:$0x3], $0x2600, s1, s0, $0x38;
	[tilespmem:$0x12D00] =	vst v63  }
0x14: {  	s28 =	sadd.s32 $0x1, s28;
	_ =	swait.ge [sflag:s17], $0x2600  }
0x15: {  	p0 =	sne.s32 s28, s15;
	[sflag:s17] =	ssyncset.done $0x0  }
.Ltmp1:
0x16: {  	[sflag:s17] =	ssyncadd.s32 $0xFFFFDA00;
	(pc) =	sbr.rel @!p0 .LBB2_9-.Ltmp1, $4  }
0x17: {  	[hbm4b:s14+s0] =	stream.strided.scatter [tilespmem:s19], [sflag:$0x3], $0x2600, s1, s0, $0x38;
	[tilespmem:$0x12D00] =	vst v63  }
0x18: {  	_ =	swait.ge [sflag:s17], $0x2600  }
0x19: {  	[sflag:s17] =	ssyncset.done $0x0  }
0x1a: {  	[sflag:s17] =	ssyncadd.s32 $0xFFFFDA00  }
.LBB2_1:
0x1b: {  	s0 =	rddreg [dreg:$0x3];
	s1 =	simm.s32 $0xE000  }
0x1c: {  	[tilespmem:s1], [sflag:$0x3] =	stream.linear.gather [hbm4b:s0+s3], $0x100, $0x38;
	[tilespmem:$0x12D00] =	vst v63  }
0x1d: {  	_ =	swait.ge [sflag:s17], $0x100  }
0x1e: {  	[sflag:s17] =	ssyncset.done $0x0  }
0x1f: {  	[sflag:s17] =	ssyncadd.s32 $0xFFFFFF00  }
0x20: {  	[tilespmem:s18], [sflag:$0x3] =	stream.linear.gather [hbm4b:s6+s3], $0x2600, $0x38;
	[tilespmem:$0x12D00] =	vst v63  }
0x21: {  	_ =	swait.ge [sflag:s17], $0x2600  }
0x22: {  	[sflag:s17] =	ssyncset.done $0x0  }
0x23: {  	[sflag:s17] =	ssyncadd.s32 $0xFFFFDA00  }
0x24: {  	[tilespmem:s19], [sflag:$0x3] =	stream.linear.gather [hbm4b:s6+s3], $0x2600, $0x38;
	[tilespmem:$0x12D00] =	vst v63  }
0x25: {  	_ =	swait.ge [sflag:s17], $0x2600  }
0x26: {  	[sflag:s17] =	ssyncset.done $0x0  }
0x27: {  	[sflag:s17] =	ssyncadd.s32 $0xFFFFDA00  }
0x28: {  	s26 =	rddreg [dreg:$0x4];
	v2 =	vld [tilespmem:$0xE000]  }
0x29: {  	v3 =	vld [tilespmem:$0xE080];
	[tilespmem:s3], [sflag:$0x1] =	stream.linear.gather [hbm4b:s26+s3], $0x3800, $0x38  }
0x2a: {  	s31 =	simm.s32 $0x7000;
	s30 =	rddreg [dreg:$0x5]  }
0x2b: {  	[tilespmem:s31], [sflag:$0x1] =	stream.linear.gather [hbm4b:s30+s3], $0x3800, $0x38;
	[tilespmem:$0x12D00] =	vst v63  }
0x2c: {  	_ = 	snop  }
0x2d: {  	[tilespmem:s21], [sflag:$0x2] =	stream.linear.gather [hbm4b:s9+s3], $0x3800, $0x38;
	[tilespmem:$0x12D00] =	vst v63  }
0x2e: {  	s29 =	simm.s32 $0x0  }
0x2f: {  	[tilespmem:s22], [sflag:$0x2] =	stream.linear.gather [hbm4b:s10+s3], $0x3800, $0x38;
	[tilespmem:$0x12D00] =	vst v63  }
.LBB2_2:
0x30: {  	_ =	swait.ge [sflag:s23], $0x3800  }
0x31: {  	[sflag:s23] =	ssyncset.done $0x0  }
0x32: {  	[sflag:s23] =	ssyncadd.s32 $0xFFFFC800  }
0x33: {  	s0 =	simm.s32 $0x0;
	_ =	swait.ge [sflag:s23], $0x3800  }
0x34: {  	s1 =	sand.u32 $0x3800, s0;
	s0 =	sand.u32 $0x380, s0;
	[sflag:s23] =	ssyncset.done $0x0  }
0x35: {  	s20 =	sor.u32 s0, s1;
	[sflag:s23] =	ssyncadd.s32 $0xFFFFC800  }
0x36: {  	v4 =	vld [tilespmem:s20+$0x0];
	_ =	sdelay $0x4  }
0x37: {  	v4 =	vmul.f32 v4, v3;
	_ =	sdelay $0x1  }
0x38: {  	v4 =	vadd.f32 v4, v2;
	_ =	sdelay $0x1  }
0x39: {  	v4 =	vtrunc.f32 v4  }
0x3a: {  	v4 =	vcvt.f32.s32 v4;
	_ =	sdelay $0x1  }
0x3b: {  	v4 =	vand.u32 $0xFFFFFFF0, v4  }
0x3c: {  	v4 =	vor.u32 v0, v4  }
0x3d: {  	v5 =	vld [tilespmem:s20+$0x7000];
	_ =	sdelay $0x3  }
0x3e: {  	[tilespmem:v4+s18+$0x0] =	vst.idx.add.f32.msk $0xffff, v1  }
0x3f: {  	[tilespmem:v4+s19+$0x0] =	vst.idx.add.f32.msk $0xffff, v5  }
0x40: {  	v4 =	vld [tilespmem:s20+$0x10];
	_ =	sdelay $0x3  }
0x41: {  	s25 =	simm.s32 $0x100;
	s26 =	simm.s32 $0x80  }
0x42: {  	s0 =	sand.u32 $0x3800, s25;
	s1 =	sand.u32 $0x380, s26;
	v4 =	vmul.f32 v4, v3  }
0x43: {  	s30 =	sor.u32 s1, s0  }
0x44: {  	v5 =	vld [tilespmem:s30+$0x0];
	v4 =	vadd.f32 v4, v2;
	_ =	sdelay $0x1  }
0x45: {  	v4 =	vtrunc.f32 v4  }
0x46: {  	v4 =	vcvt.f32.s32 v4;
	_ =	sdelay $0x1  }
0x47: {  	v5 =	vmul.f32 v5, v3;
	v4 =	vand.u32 $0xFFFFFFF0, v4  }
0x48: {  	v4 =	vor.u32 v0, v4  }
0x49: {  	v6 =	vld [tilespmem:s20+$0x7010];
	v5 =	vadd.f32 v5, v2;
	_ =	sdelay $0x1  }
0x4a: {  	v5 =	vtrunc.f32 v5  }
0x4b: {  	v5 =	vcvt.f32.s32 v5  }
0x4c: {  	[tilespmem:v4+s18+$0x0] =	vst.idx.add.f32.msk $0xffff, v1  }
0x4d: {  	[tilespmem:v4+s19+$0x0] =	vst.idx.add.f32.msk $0xffff, v6;
	v4 =	vand.u32 $0xFFFFFFF0, v5  }
0x4e: {  	v5 =	vld [tilespmem:s20+$0x20];
	v4 =	vor.u32 v0, v4  }
0x4f: {  	v6 =	vld [tilespmem:s30+$0x7000];
	_ =	sdelay $0x3  }
0x50: {  	v5 =	vmul.f32 v5, v3;
	[tilespmem:v4+s18+$0x0] =	vst.idx.add.f32.msk $0xffff, v1  }
0x51: {  	[tilespmem:v4+s19+$0x0] =	vst.idx.add.f32.msk $0xffff, v6  }
0x52: {  	v4 =	vadd.f32 v5, v2;
	v5 =	vld [tilespmem:s30+$0x10];
	_ =	sdelay $0x1  }
0x53: {  	v4 =	vtrunc.f32 v4  }
0x54: {  	v4 =	vcvt.f32.s32 v4;
	_ =	sdelay $0x1  }
0x55: {  	v4 =	vand.u32 $0xFFFFFFF0, v4;
	v5 =	vmul.f32 v5, v3  }
0x56: {  	v4 =	vor.u32 v0, v4  }
0x57: {  	v6 =	vld [tilespmem:s20+$0x7020];
	v5 =	vadd.f32 v5, v2;
	_ =	sdelay $0x1  }
0x58: {  	v5 =	vtrunc.f32 v5  }
0x59: {  	v5 =	vcvt.f32.s32 v5  }
0x5a: {  	[tilespmem:v4+s18+$0x0] =	vst.idx.add.f32.msk $0xffff, v1  }
0x5b: {  	[tilespmem:v4+s19+$0x0] =	vst.idx.add.f32.msk $0xffff, v6;
	v4 =	vand.u32 $0xFFFFFFF0, v5  }
0x5c: {  	v5 =	vld [tilespmem:s20+$0x30];
	v4 =	vor.u32 v0, v4  }
0x5d: {  	v6 =	vld [tilespmem:s30+$0x7010];
	_ =	sdelay $0x3  }
0x5e: {  	[tilespmem:v4+s18+$0x0] =	vst.idx.add.f32.msk $0xffff, v1;
	v5 =	vmul.f32 v5, v3  }
0x5f: {  	[tilespmem:v4+s19+$0x0] =	vst.idx.add.f32.msk $0xffff, v6  }
0x60: {  	v4 =	vld [tilespmem:s30+$0x20];
	v5 =	vadd.f32 v5, v2;
	_ =	sdelay $0x1  }
0x61: {  	v5 =	vtrunc.f32 v5  }
0x62: {  	s5 =	simm.s32 $0x200;
	s7 =	simm.s32 $0x100;
	v5 =	vcvt.f32.s32 v5  }
0x63: {  	s0 =	sand.u32 $0x3800, s5;
	s1 =	sand.u32 $0x380, s7  }
0x64: {  	s31 =	sor.u32 s1, s0;
	v4 =	vmul.f32 v4, v3;
	v5 =	vand.u32 $0xFFFFFFF0, v5  }
0x65: {  	v6 =	vld [tilespmem:s31+$0x0];
	v5 =	vor.u32 v0, v5  }
0x66: {  	v7 =	vld [tilespmem:s20+$0x7030];
	v4 =	vadd.f32 v4, v2;
	_ =	sdelay $0x1  }
0x67: {  	v4 =	vtrunc.f32 v4  }
0x68: {  	v4 =	vcvt.f32.s32 v4  }
0x69: {  	v6 =	vmul.f32 v6, v3;
	[tilespmem:v5+s18+$0x0] =	vst.idx.add.f32.msk $0xffff, v1  }
0x6a: {  	v4 =	vand.u32 $0xFFFFFFF0, v4;
	[tilespmem:v5+s19+$0x0] =	vst.idx.add.f32.msk $0xffff, v7  }
0x6b: {  	v6 =	vadd.f32 v6, v2;
	v7 =	vld [tilespmem:s30+$0x7020];
	v4 =	vor.u32 v0, v4  }
0x6c: {  	v5 =	vld [tilespmem:s20+$0x40]  }
0x6d: {  	v6 =	vtrunc.f32 v6  }
0x6e: {  	v6 =	vcvt.f32.s32 v6  }
0x6f: {  	v8 =	vld [tilespmem:s31+$0x7000]  }
0x70: {  	v6 =	vand.u32 $0xFFFFFFF0, v6;
	[tilespmem:v4+s18+$0x0] =	vst.idx.add.f32.msk $0xffff, v1  }
0x71: {  	v6 =	vor.u32 v0, v6;
	v5 =	vmul.f32 v5, v3;
	[tilespmem:v4+s19+$0x0] =	vst.idx.add.f32.msk $0xffff, v7  }
0x72: {  	v4 =	vld [tilespmem:s30+$0x30]  }
0x73: {  	v5 =	vadd.f32 v5, v2;
	_ =	sdelay $0x1  }
0x74: {  	v5 =	vtrunc.f32 v5  }
0x75: {  	[tilespmem:v6+s18+$0x0] =	vst.idx.add.f32.msk $0xffff, v1;
	v5 =	vcvt.f32.s32 v5  }
0x76: {  	[tilespmem:v6+s19+$0x0] =	vst.idx.add.f32.msk $0xffff, v8;
	v4 =	vmul.f32 v4, v3  }
0x77: {  	v6 =	vld [tilespmem:s31+$0x10];
	v5 =	vand.u32 $0xFFFFFFF0, v5  }
0x78: {  	v5 =	vor.u32 v0, v5;
	v4 =	vadd.f32 v4, v2  }
0x79: {  	v7 =	vld [tilespmem:s20+$0x7040]  }
0x7a: {  	v4 =	vtrunc.f32 v4  }
0x7b: {  	v4 =	vcvt.f32.s32 v4  }
0x7c: {  	v6 =	vmul.f32 v6, v3  }
0x7d: {  	[tilespmem:v5+s18+$0x0] =	vst.idx.add.f32.msk $0xffff, v1;
	v4 =	vand.u32 $0xFFFFFFF0, v4  }
0x7e: {  	[tilespmem:v5+s19+$0x0] =	vst.idx.add.f32.msk $0xffff, v7;
	v5 =	vadd.f32 v6, v2;
	v4 =	vor.u32 v0, v4  }
0x7f: {  	v6 =	vld [tilespmem:s30+$0x7030]  }
0x80: {  	v5 =	vtrunc.f32 v5  }
0x81: {  	v7 =	vld [tilespmem:s20+$0x50];
	v5 =	vcvt.f32.s32 v5  }
0x82: {  	v8 =	vld [tilespmem:s31+$0x7010]  }
0x83: {  	v5 =	vand.u32 $0xFFFFFFF0, v5;
	[tilespmem:v4+s18+$0x0] =	vst.idx.add.f32.msk $0xffff, v1  }
0x84: {  	[tilespmem:v4+s19+$0x0] =	vst.idx.add.f32.msk $0xffff, v6;
	v4 =	vor.u32 v0, v5  }
0x85: {  	v6 =	vld [tilespmem:s30+$0x40]  }
0x86: {  	v5 =	vmul.f32 v7, v3;
	_ =	sdelay $0x1  }
0x87: {  	v5 =	vadd.f32 v5, v2  }
0x88: {  	[tilespmem:v4+s18+$0x0] =	vst.idx.add.f32.msk $0xffff, v1  }
0x89: {  	v5 =	vtrunc.f32 v5;
	v6 =	vmul.f32 v6, v3;
	[tilespmem:v4+s19+$0x0] =	vst.idx.add.f32.msk $0xffff, v8  }
0x8a: {  	s8 =	simm.s32 $0x300;
	s16 =	simm.s32 $0x180;
	v5 =	vcvt.f32.s32 v5;
	v4 =	vld [tilespmem:s31+$0x20]  }
0x8b: {  	s0 =	sand.u32 $0x3800, s8;
	s1 =	sand.u32 $0x380, s16;
	v6 =	vadd.f32 v6, v2  }
0x8c: {  	s0 =	sor.u32 s1, s0;
	v5 =	vand.u32 $0xFFFFFFF0, v5  }
0x8d: {  	v7 =	vld [tilespmem:s0+$0x0];
	v5 =	vor.u32 v0, v5;
	v6 =	vtrunc.f32 v6  }
0x8e: {  	v8 =	vld [tilespmem:s20+$0x7050];
	v6 =	vcvt.f32.s32 v6  }
0x8f: {  	v4 =	vmul.f32 v4, v3  }
0x90: {  	v6 =	vand.u32 $0xFFFFFFF0, v6  }
0x91: {  	v9 =	vld [tilespmem:s30+$0x7040];
	v6 =	vor.u32 v0, v6;
	v4 =	vadd.f32 v4, v2  }
0x92: {  	[tilespmem:v5+s18+$0x0] =	vst.idx.add.f32.msk $0xffff, v1  }
0x93: {  	v7 =	vmul.f32 v7, v3;
	[tilespmem:v5+s19+$0x0] =	vst.idx.add.f32.msk $0xffff, v8;
	v4 =	vtrunc.f32 v4  }
0x94: {  	v8 =	vld [tilespmem:s31+$0x7020];
	v4 =	vcvt.f32.s32 v4  }
0x95: {  	v7 =	vadd.f32 v7, v2;
	v5 =	vld [tilespmem:s20+$0x60]  }
0x96: {  	[tilespmem:v6+s18+$0x0] =	vst.idx.add.f32.msk $0xffff, v1;
	v4 =	vand.u32 $0xFFFFFFF0, v4  }
0x97: {  	v7 =	vtrunc.f32 v7;
	[tilespmem:v6+s19+$0x0] =	vst.idx.add.f32.msk $0xffff, v9;
	v4 =	vor.u32 v0, v4  }
0x98: {  	v6 =	vcvt.f32.s32 v7;
	v7 =	vld [tilespmem:s30+$0x50];
	_ =	sdelay $0x1  }
0x99: {  	v6 =	vand.u32 $0xFFFFFFF0, v6  }
0x9a: {  	v9 =	vld [tilespmem:s0+$0x7000];
	v6 =	vor.u32 v0, v6  }
0x9b: {  	v5 =	vmul.f32 v5, v3;
	[tilespmem:v4+s18+$0x0] =	vst.idx.add.f32.msk $0xffff, v1  }
0x9c: {  	[tilespmem:v4+s19+$0x0] =	vst.idx.add.f32.msk $0xffff, v8;
	v4 =	vmul.f32 v7, v3  }
0x9d: {  	v5 =	vadd.f32 v5, v2;
	v7 =	vld [tilespmem:s31+$0x30]  }
0x9e: {  	v4 =	vadd.f32 v4, v2  }
0x9f: {  	v5 =	vtrunc.f32 v5;
	[tilespmem:v6+s18+$0x0] =	vst.idx.add.f32.msk $0xffff, v1  }
0xa0: {  	v5 =	vcvt.f32.s32 v5;
	[tilespmem:v6+s19+$0x0] =	vst.idx.add.f32.msk $0xffff, v9;
	v4 =	vtrunc.f32 v4  }
0xa1: {  	v6 =	vld [tilespmem:s0+$0x10];
	v4 =	vcvt.f32.s32 v4  }
0xa2: {  	v5 =	vand.u32 $0xFFFFFFF0, v5;
	v7 =	vmul.f32 v7, v3  }
0xa3: {  	v5 =	vor.u32 v0, v5;
	v4 =	vand.u32 $0xFFFFFFF0, v4  }
0xa4: {  	v7 =	vadd.f32 v7, v2;
	v4 =	vor.u32 v0, v4  }
0xa5: {  	v8 =	vld [tilespmem:s30+$0x7050]  }
0xa6: {  	v10 =	vld [tilespmem:s31+$0x7030];
	v6 =	vmul.f32 v6, v3;
	v7 =	vtrunc.f32 v7  }
0xa7: {  	v9 =	vld [tilespmem:s20+$0x7060];
	v7 =	vcvt.f32.s32 v7  }
0xa8: {  	[tilespmem:v5+s18+$0x0] =	vst.idx.add.f32.msk $0xffff, v1;
	v6 =	vadd.f32 v6, v2  }
0xa9: {  	v7 =	vand.u32 $0xFFFFFFF0, v7;
	[tilespmem:v4+s18+$0x0] =	vst.idx.add.f32.msk $0xffff, v1  }
0xaa: {  	v6 =	vtrunc.f32 v6;
	v7 =	vor.u32 v0, v7;
	[tilespmem:v4+s19+$0x0] =	vst.idx.add.f32.msk $0xffff, v8  }
0xab: {  	v4 =	vcvt.f32.s32 v6;
	v6 =	vld [tilespmem:s30+$0x60]  }
0xac: {  	[tilespmem:v5+s19+$0x0] =	vst.idx.add.f32.msk $0xffff, v9  }
0xad: {  	v5 =	vld [tilespmem:s20+$0x70];
	v4 =	vand.u32 $0xFFFFFFF0, v4  }
0xae: {  	v8 =	vld [tilespmem:s0+$0x7010];
	v4 =	vor.u32 v0, v4  }
0xaf: {  	[tilespmem:v7+s18+$0x0] =	vst.idx.add.f32.msk $0xffff, v1  }
0xb0: {  	[tilespmem:v7+s19+$0x0] =	vst.idx.add.f32.msk $0xffff, v10;
	v6 =	vmul.f32 v6, v3  }
0xb1: {  	v7 =	vld [tilespmem:s31+$0x40]  }
0xb2: {  	v6 =	vadd.f32 v6, v2  }
0xb3: {  	v5 =	vmul.f32 v5, v3;
	[tilespmem:v4+s18+$0x0] =	vst.idx.add.f32.msk $0xffff, v1  }
0xb4: {  	[tilespmem:v4+s19+$0x0] =	vst.idx.add.f32.msk $0xffff, v8;
	v4 =	vtrunc.f32 v6  }
0xb5: {  	v5 =	vadd.f32 v5, v2;
	v6 =	vld [tilespmem:s0+$0x20];
	v4 =	vcvt.f32.s32 v4  }
0xb6: {  	v7 =	vmul.f32 v7, v3  }
0xb7: {  	s25 =	simm.s32 $0x400;
	s5 =	simm.s32 $0x200;
	v5 =	vtrunc.f32 v5;
	v4 =	vand.u32 $0xFFFFFFF0, v4  }
0xb8: {  	s5 =	sand.u32 $0x380, s5;
	s1 =	sand.u32 $0x3800, s25;
	v5 =	vcvt.f32.s32 v5;
	v7 =	vadd.f32 v7, v2;
	v4 =	vor.u32 v0, v4  }
0xb9: {  	s1 =	sor.u32 s5, s1;
	v8 =	vld [tilespmem:s30+$0x7060]  }
0xba: {  	v9 =	vld [tilespmem:s1+$0x0];
	v5 =	vand.u32 $0xFFFFFFF0, v5;
	v6 =	vmul.f32 v6, v3;
	v7 =	vtrunc.f32 v7  }
0xbb: {  	v10 =	vld [tilespmem:s20+$0x7070];
	v5 =	vor.u32 v0, v5;
	v7 =	vcvt.f32.s32 v7  }
0xbc: {  	v11 =	vld [tilespmem:s31+$0x7040];
	v6 =	vadd.f32 v6, v2  }
0xbd: {  	v7 =	vand.u32 $0xFFFFFFF0, v7;
	[tilespmem:v4+s18+$0x0] =	vst.idx.add.f32.msk $0xffff, v1  }
0xbe: {  	v6 =	vtrunc.f32 v6;
	v7 =	vor.u32 v0, v7;
	[tilespmem:v4+s19+$0x0] =	vst.idx.add.f32.msk $0xffff, v8  }
0xbf: {  	v4 =	vcvt.f32.s32 v6;
	v6 =	vld [tilespmem:s30+$0x70]  }
0xc0: {  	[tilespmem:v5+s18+$0x0] =	vst.idx.add.f32.msk $0xffff, v1;
	v8 =	vmul.f32 v9, v3  }
0xc1: {  	[tilespmem:v5+s19+$0x0] =	vst.idx.add.f32.msk $0xffff, v10;
	v4 =	vand.u32 $0xFFFFFFF0, v4  }
0xc2: {  	v5 =	vadd.f32 v8, v2;
	v8 =	vld [tilespmem:s0+$0x7020];
	v4 =	vor.u32 v0, v4  }
0xc3: {  	[tilespmem:v7+s18+$0x0] =	vst.idx.add.f32.msk $0xffff, v1  }
0xc4: {  	v5 =	vtrunc.f32 v5;
	[tilespmem:v7+s19+$0x0] =	vst.idx.add.f32.msk $0xffff, v11;
	v6 =	vmul.f32 v6, v3  }
0xc5: {  	v5 =	vcvt.f32.s32 v5;
	v7 =	vld [tilespmem:s31+$0x50]  }
0xc6: {  	v9 =	vld [tilespmem:s1+$0x7000];
	v6 =	vadd.f32 v6, v2  }
0xc7: {  	v5 =	vand.u32 $0xFFFFFFF0, v5;
	[tilespmem:v4+s18+$0x0] =	vst.idx.add.f32.msk $0xffff, v1  }
0xc8: {  	v5 =	vor.u32 v0, v5;
	[tilespmem:v4+s19+$0x0] =	vst.idx.add.f32.msk $0xffff, v8;
	v6 =	vtrunc.f32 v6  }
0xc9: {  	v4 =	vcvt.f32.s32 v6;
	v6 =	vld [tilespmem:s0+$0x30]  }
0xca: {  	v7 =	vmul.f32 v7, v3  }
0xcb: {  	v10 =	vld [tilespmem:s30+$0x7070]  }
0xcc: {  	v8 =	vld [tilespmem:s20+$0x400];
	v4 =	vand.u32 $0xFFFFFFF0, v4;
	v7 =	vadd.f32 v7, v2  }
0xcd: {  	[tilespmem:v5+s18+$0x0] =	vst.idx.add.f32.msk $0xffff, v1;
	v4 =	vor.u32 v0, v4  }
0xce: {  	[tilespmem:v5+s19+$0x0] =	vst.idx.add.f32.msk $0xffff, v9;
	v5 =	vtrunc.f32 v7;
	v6 =	vmul.f32 v6, v3  }
0xcf: {  	v7 =	vld [tilespmem:s1+$0x10];
	v5 =	vcvt.f32.s32 v5  }
0xd0: {  	v6 =	vadd.f32 v6, v2  }
0xd1: {  	v9 =	vld [tilespmem:s31+$0x7050];
	v5 =	vand.u32 $0xFFFFFFF0, v5  }
0xd2: {  	v8 =	vmul.f32 v8, v3;
	[tilespmem:v4+s18+$0x0] =	vst.idx.add.f32.msk $0xffff, v1;
	v6 =	vtrunc.f32 v6;
	v5 =	vor.u32 v0, v5  }
0xd3: {  	[tilespmem:v4+s19+$0x0] =	vst.idx.add.f32.msk $0xffff, v10;
	v6 =	vcvt.f32.s32 v6  }
0xd4: {  	v4 =	vadd.f32 v8, v2;
	v8 =	vld [tilespmem:s30+$0x400];
	v7 =	vmul.f32 v7, v3  }
0xd5: {  	v11 =	vld [tilespmem:s0+$0x7030];
	v6 =	vand.u32 $0xFFFFFFF0, v6  }
0xd6: {  	v10 =	vld [tilespmem:s20+$0x7400];
	v4 =	vtrunc.f32 v4;
	v7 =	vadd.f32 v7, v2;
	v6 =	vor.u32 v0, v6  }
0xd7: {  	v4 =	vcvt.f32.s32 v4;
	[tilespmem:v5+s18+$0x0] =	vst.idx.add.f32.msk $0xffff, v1  }
0xd8: {  	v7 =	vtrunc.f32 v7;
	[tilespmem:v5+s19+$0x0] =	vst.idx.add.f32.msk $0xffff, v9  }
0xd9: {  	v4 =	vand.u32 $0xFFFFFFF0, v4;
	v5 =	vmul.f32 v8, v3;
	v7 =	vcvt.f32.s32 v7;
	v8 =	vld [tilespmem:s31+$0x60]  }
0xda: {  	v4 =	vor.u32 v0, v4;
	v9 =	vld [tilespmem:s1+$0x7010]  }
0xdb: {  	s26 =	simm.s32 $0x500;
	s7 =	simm.s32 $0x280;
	v5 =	vadd.f32 v5, v2;
	v7 =	vand.u32 $0xFFFFFFF0, v7;
	[tilespmem:v6+s18+$0x0] =	vst.idx.add.f32.msk $0xffff, v1  }
0xdc: {  	s7 =	sand.u32 $0x380, s7;
	s5 =	sand.u32 $0x3800, s26;
	v7 =	vor.u32 v0, v7;
	[tilespmem:v6+s19+$0x0] =	vst.idx.add.f32.msk $0xffff, v11  }
0xdd: {  	s16 =	sor.u32 s7, s5;
	v5 =	vtrunc.f32 v5;
	v6 =	vld [tilespmem:s0+$0x40]  }
0xde: {  	v13 =	vld [tilespmem:s16+$0x7000];
	v5 =	vcvt.f32.s32 v5;
	v8 =	vmul.f32 v8, v3  }
0xdf: {  	[tilespmem:v4+s18+$0x0] =	vst.idx.add.f32.msk $0xffff, v1  }
0xe0: {  	[tilespmem:v4+s19+$0x0] =	vst.idx.add.f32.msk $0xffff, v10;
	v4 =	vand.u32 $0xFFFFFFF0, v5;
	v5 =	vadd.f32 v8, v2  }
0xe1: {  	[tilespmem:v7+s18+$0x0] =	vst.idx.add.f32.msk $0xffff, v1  }
0xe2: {  	[tilespmem:v7+s19+$0x0] =	vst.idx.add.f32.msk $0xffff, v9;
	v6 =	vmul.f32 v6, v3;
	v5 =	vtrunc.f32 v5  }
0xe3: {  	v4 =	vor.u32 v0, v4;
	v7 =	vld [tilespmem:s1+$0x20];
	v5 =	vcvt.f32.s32 v5  }
0xe4: {  	v8 =	vld [tilespmem:s30+$0x7400];
	v6 =	vadd.f32 v6, v2  }
0xe5: {  	v11 =	vld [tilespmem:s0+$0x7040];
	v5 =	vand.u32 $0xFFFFFFF0, v5  }
0xe6: {  	v10 =	vld [tilespmem:s20+$0x410];
	v6 =	vtrunc.f32 v6;
	v5 =	vor.u32 v0, v5  }
0xe7: {  	v9 =	vld [tilespmem:s31+$0x7060];
	v6 =	vcvt.f32.s32 v6  }
0xe8: {  	[tilespmem:v4+s18+$0x0] =	vst.idx.add.f32.msk $0xffff, v1;
	v7 =	vmul.f32 v7, v3  }
0xe9: {  	[tilespmem:v4+s19+$0x0] =	vst.idx.add.f32.msk $0xffff, v8;
	v4 =	vand.u32 $0xFFFFFFF0, v6  }
0xea: {  	v8 =	vld [tilespmem:s16+$0x0];
	v7 =	vadd.f32 v7, v2;
	v4 =	vor.u32 v0, v4  }
0xeb: {  	v10 =	vmul.f32 v10, v3;
	[tilespmem:v5+s18+$0x0] =	vst.idx.add.f32.msk $0xffff, v1  }
0xec: {  	v7 =	vtrunc.f32 v7;
	[tilespmem:v5+s19+$0x0] =	vst.idx.add.f32.msk $0xffff, v9  }
0xed: {  	v5 =	vcvt.f32.s32 v7;
	v9 =	vadd.f32 v10, v2;
	v7 =	vld [tilespmem:s31+$0x70]  }
0xee: {  	v6 =	vld [tilespmem:s20+$0x7410]  }
0xef: {  	v8 =	vmul.f32 v8, v3;
	v5 =	vand.u32 $0xFFFFFFF0, v5;
	v9 =	vtrunc.f32 v9;
	[tilespmem:v4+s18+$0x0] =	vst.idx.add.f32.msk $0xffff, v1  }
0xf0: {  	v5 =	vor.u32 v0, v5;
	[tilespmem:v4+s19+$0x0] =	vst.idx.add.f32.msk $0xffff, v11;
	v4 =	vcvt.f32.s32 v9  }
0xf1: {  	v10 =	vld [tilespmem:s1+$0x7020];
	v8 =	vadd.f32 v8, v2  }
0xf2: {  	v12 =	vld [tilespmem:s31+$0x7070];
	v7 =	vmul.f32 v7, v3;
	v4 =	vand.u32 $0xFFFFFFF0, v4  }
0xf3: {  	v8 =	vtrunc.f32 v8;
	v11 =	vld [tilespmem:s0+$0x50];
	v4 =	vor.u32 v0, v4  }
0xf4: {  	v8 =	vcvt.f32.s32 v8;
	v9 =	vld [tilespmem:s0+$0x7050];
	v7 =	vadd.f32 v7, v2  }
0xf5: {  	[tilespmem:v5+s18+$0x0] =	vst.idx.add.f32.msk $0xffff, v1  }
0xf6: {  	v8 =	vand.u32 $0xFFFFFFF0, v8;
	[tilespmem:v5+s19+$0x0] =	vst.idx.add.f32.msk $0xffff, v10;
	v7 =	vtrunc.f32 v7  }
0xf7: {  	v5 =	vor.u32 v0, v8;
	v8 =	vld [tilespmem:s1+$0x30];
	v7 =	vcvt.f32.s32 v7  }
0xf8: {  	v10 =	vmul.f32 v11, v3;
	[tilespmem:v4+s18+$0x0] =	vst.idx.add.f32.msk $0xffff, v1  }
0xf9: {  	v7 =	vand.u32 $0xFFFFFFF0, v7;
	[tilespmem:v4+s19+$0x0] =	vst.idx.add.f32.msk $0xffff, v6  }
0xfa: {  	v4 =	vadd.f32 v10, v2;
	v6 =	vor.u32 v0, v7;
	v7 =	vld [tilespmem:s20+$0x420]  }
0xfb: {  	v61 =	vld [tilespmem:s1+$0x7030]  }
0xfc: {  	[tilespmem:v5+s18+$0x0] =	vst.idx.add.f32.msk $0xffff, v1;
	v4 =	vtrunc.f32 v4;
	v8 =	vmul.f32 v8, v3  }
0xfd: {  	[tilespmem:v5+s19+$0x0] =	vst.idx.add.f32.msk $0xffff, v13;
	v4 =	vcvt.f32.s32 v4  }
0xfe: {  	v5 =	vld [tilespmem:s16+$0x10];
	v8 =	vadd.f32 v8, v2  }
0xff: {  	v4 =	vand.u32 $0xFFFFFFF0, v4;
	[tilespmem:v6+s18+$0x0] =	vst.idx.add.f32.msk $0xffff, v1;
	v7 =	vmul.f32 v7, v3  }
0x100: {  	v8 =	vtrunc.f32 v8;
	v4 =	vor.u32 v0, v4;
	[tilespmem:v6+s19+$0x0] =	vst.idx.add.f32.msk $0xffff, v12  }
0x101: {  	v6 =	vcvt.f32.s32 v8;
	v8 =	vld [tilespmem:s31+$0x400];
	v7 =	vadd.f32 v7, v2  }
0x102: {  	v10 =	vld [tilespmem:s20+$0x7420]  }
0x103: {  	v60 =	vld [tilespmem:s16+$0x7010];
	v5 =	vmul.f32 v5, v3;
	v6 =	vand.u32 $0xFFFFFFF0, v6;
	v7 =	vtrunc.f32 v7  }
0x104: {  	v11 =	vld [tilespmem:s31+$0x7400];
	v14 =	vor.u32 v0, v6;
	v6 =	vcvt.f32.s32 v7  }
0x105: {  	v5 =	vadd.f32 v5, v2;
	[tilespmem:v4+s18+$0x0] =	vst.idx.add.f32.msk $0xffff, v1  }
0x106: {  	[tilespmem:v4+s19+$0x0] =	vst.idx.add.f32.msk $0xffff, v9;
	v4 =	vmul.f32 v8, v3;
	v6 =	vand.u32 $0xFFFFFFF0, v6  }
0x107: {  	v5 =	vtrunc.f32 v5;
	v7 =	vld [tilespmem:s0+$0x60];
	v8 =	vor.u32 v0, v6  }
0x108: {  	v5 =	vcvt.f32.s32 v5;
	v6 =	vld [tilespmem:s0+$0x7060];
	v4 =	vadd.f32 v4, v2  }
0x109: {  	[tilespmem:v14+s18+$0x0] =	vst.idx.add.f32.msk $0xffff, v1  }
0x10a: {  	v5 =	vand.u32 $0xFFFFFFF0, v5;
	[tilespmem:v14+s19+$0x0] =	vst.idx.add.f32.msk $0xffff, v61;
	v4 =	vtrunc.f32 v4  }
0x10b: {  	v5 =	vor.u32 v0, v5;
	v9 =	vld [tilespmem:s1+$0x40];
	v4 =	vcvt.f32.s32 v4  }
0x10c: {  	[tilespmem:v8+s18+$0x0] =	vst.idx.add.f32.msk $0xffff, v1  }
0x10d: {  	v7 =	vmul.f32 v7, v3;
	v4 =	vand.u32 $0xFFFFFFF0, v4;
	[tilespmem:v8+s19+$0x0] =	vst.idx.add.f32.msk $0xffff, v10  }
0x10e: {  	v62 =	vor.u32 v0, v4;
	v8 =	vld [tilespmem:s20+$0x430]  }
0x10f: {  	v7 =	vadd.f32 v7, v2;
	v4 =	vld [tilespmem:s20+$0x7430]  }
0x110: {  	[tilespmem:v5+s18+$0x0] =	vst.idx.add.f32.msk $0xffff, v1;
	v9 =	vmul.f32 v9, v3  }
0x111: {  	v7 =	vtrunc.f32 v7;
	[tilespmem:v5+s19+$0x0] =	vst.idx.add.f32.msk $0xffff, v60  }
0x112: {  	v5 =	vcvt.f32.s32 v7;
	v10 =	vld [tilespmem:s16+$0x20];
	v7 =	vadd.f32 v9, v2  }
0x113: {  	[tilespmem:v62+s18+$0x0] =	vst.idx.add.f32.msk $0xffff, v1;
	v63 =	vmul.f32 v8, v3  }
0x114: {  	v5 =	vand.u32 $0xFFFFFFF0, v5;
	v8 =	vld [tilespmem:s1+$0x7040];
	v9 =	vtrunc.f32 v7  }
0x115: {  	s26 =	simm.s32 $0x600;
	s5 =	simm.s32 $0x300;
	v7 =	vor.u32 v0, v5;
	v9 =	vcvt.f32.s32 v9;
	[tilespmem:v62+s19+$0x0] =	vst.idx.add.f32.msk $0xffff, v11;
	v5 =	vadd.f32 v63, v2  }
.LBB2_3:
0x116: {  	s20 =	smov.u32 s26  }
0x117: {  	s7 =	sand.u32 $0x3800, s26;
	s25 =	sand.u32 $0x380, s5;
	v11 =	vld [tilespmem:s30+$0x410];
	s20 =	sadd.s32 $0x100, s26  }
0x118: {  	p0 =	sne.s32 s26, $0x3700;
	s25 =	sor.u32 s25, s7;
	v10 =	vmul.f32 v10, v3;
	v9 =	vand.u32 $0xFFFFFFF0, v9;
	v5 =	vtrunc.f32 v5;
	v12 =	vld [tilespmem:s30+$0x7410]  }
0x119: {  	v9 =	vor.u32 v0, v9;
	v5 =	vcvt.f32.s32 v5;
	v13 =	vld [tilespmem:s25+$0x0]  }
0x11a: {  	v10 =	vadd.f32 v10, v2;
	[tilespmem:v7+s18+$0x0] =	vst.idx.add.f32.msk $0xffff, v1  }
0x11b: {  	v5 =	vand.u32 $0xFFFFFFF0, v5;
	[tilespmem:v7+s19+$0x0] =	vst.idx.add.f32.msk $0xffff, v6  }
0x11c: {  	v6 =	vtrunc.f32 v10;
	v10 =	vmul.f32 v11, v3;
	v5 =	vor.u32 v0, v5;
	v7 =	vld [tilespmem:s0+$0x70]  }
0x11d: {  	v6 =	vcvt.f32.s32 v6;
	v11 =	vld [tilespmem:s16+$0x7020]  }
0x11e: {  	v10 =	vadd.f32 v10, v2;
	v13 =	vmul.f32 v13, v3;
	[tilespmem:v9+s18+$0x0] =	vst.idx.add.f32.msk $0xffff, v1  }
0x11f: {  	v6 =	vand.u32 $0xFFFFFFF0, v6;
	[tilespmem:v9+s19+$0x0] =	vst.idx.add.f32.msk $0xffff, v8  }
0x120: {  	v6 =	vor.u32 v0, v6;
	v10 =	vtrunc.f32 v10;
	v8 =	vadd.f32 v13, v2;
	v9 =	vld [tilespmem:s1+$0x7050]  }
0x121: {  	v10 =	vcvt.f32.s32 v10;
	v7 =	vmul.f32 v7, v3;
	[tilespmem:v5+s18+$0x0] =	vst.idx.add.f32.msk $0xffff, v1  }
0x122: {  	v8 =	vtrunc.f32 v8;
	[tilespmem:v5+s19+$0x0] =	vst.idx.add.f32.msk $0xffff, v4  }
0x123: {  	v4 =	vcvt.f32.s32 v8;
	v5 =	vld [tilespmem:s1+$0x50];
	v7 =	vadd.f32 v7, v2;
	v8 =	vand.u32 $0xFFFFFFF0, v10  }
0x124: {  	v10 =	vld [tilespmem:s0+$0x7070];
	v8 =	vor.u32 v0, v8  }
0x125: {  	v4 =	vand.u32 $0xFFFFFFF0, v4;
	[tilespmem:v6+s18+$0x0] =	vst.idx.add.f32.msk $0xffff, v1;
	v7 =	vtrunc.f32 v7  }
0x126: {  	v13 =	vld [tilespmem:s25+$0x7000];
	v4 =	vor.u32 v0, v4;
	v7 =	vcvt.f32.s32 v7  }
0x127: {  	[tilespmem:v6+s19+$0x0] =	vst.idx.add.f32.msk $0xffff, v11  }
0x128: {  	v6 =	vld [tilespmem:s16+$0x30];
	v5 =	vmul.f32 v5, v3;
	v7 =	vand.u32 $0xFFFFFFF0, v7  }
0x129: {  	[tilespmem:v8+s18+$0x0] =	vst.idx.add.f32.msk $0xffff, v1  }
0x12a: {  	v5 =	vadd.f32 v5, v2;
	[tilespmem:v8+s19+$0x0] =	vst.idx.add.f32.msk $0xffff, v12  }
0x12b: {  	v7 =	vor.u32 v0, v7;
	v8 =	vld [tilespmem:s30+$0x420]  }
0x12c: {  	v5 =	vtrunc.f32 v5;
	v11 =	vld [tilespmem:s30+$0x7420]  }
0x12d: {  	[tilespmem:v4+s18+$0x0] =	vst.idx.add.f32.msk $0xffff, v1;
	v6 =	vmul.f32 v6, v3;
	v5 =	vcvt.f32.s32 v5  }
0x12e: {  	[tilespmem:v4+s19+$0x0] =	vst.idx.add.f32.msk $0xffff, v13  }
0x12f: {  	v4 =	vld [tilespmem:s25+$0x10];
	v6 =	vadd.f32 v6, v2;
	v5 =	vand.u32 $0xFFFFFFF0, v5  }
0x130: {  	[tilespmem:v7+s18+$0x0] =	vst.idx.add.f32.msk $0xffff, v1;
	v8 =	vmul.f32 v8, v3  }
0x131: {  	v5 =	vor.u32 v0, v5;
	v6 =	vtrunc.f32 v6;
	[tilespmem:v7+s19+$0x0] =	vst.idx.add.f32.msk $0xffff, v10  }
0x132: {  	v6 =	vcvt.f32.s32 v6;
	v7 =	vld [tilespmem:s0+$0x400];
	v8 =	vadd.f32 v8, v2  }
0x133: {  	v12 =	vld [tilespmem:s0+$0x7400]  }
0x134: {  	v10 =	vld [tilespmem:s25+$0x7010];
	v4 =	vmul.f32 v4, v3;
	v6 =	vand.u32 $0xFFFFFFF0, v6;
	v8 =	vtrunc.f32 v8  }
0x135: {  	v13 =	vld [tilespmem:s16+$0x7030];
	v14 =	vor.u32 v0, v6;
	v6 =	vcvt.f32.s32 v8  }
0x136: {  	v4 =	vadd.f32 v4, v2;
	[tilespmem:v5+s18+$0x0] =	vst.idx.add.f32.msk $0xffff, v1  }
0x137: {  	[tilespmem:v5+s19+$0x0] =	vst.idx.add.f32.msk $0xffff, v9;
	v5 =	vmul.f32 v7, v3;
	v6 =	vand.u32 $0xFFFFFFF0, v6  }
0x138: {  	v4 =	vtrunc.f32 v4;
	v7 =	vld [tilespmem:s1+$0x60];
	v8 =	vor.u32 v0, v6  }
0x139: {  	v4 =	vcvt.f32.s32 v4;
	v6 =	vld [tilespmem:s1+$0x7060];
	v5 =	vadd.f32 v5, v2  }
0x13a: {  	[tilespmem:v14+s18+$0x0] =	vst.idx.add.f32.msk $0xffff, v1  }
0x13b: {  	v4 =	vand.u32 $0xFFFFFFF0, v4;
	[tilespmem:v14+s19+$0x0] =	vst.idx.add.f32.msk $0xffff, v13;
	v5 =	vtrunc.f32 v5  }
0x13c: {  	v9 =	vor.u32 v0, v4;
	v13 =	vld [tilespmem:s16+$0x40];
	v4 =	vcvt.f32.s32 v5  }
0x13d: {  	v5 =	vmul.f32 v7, v3;
	[tilespmem:v8+s18+$0x0] =	vst.idx.add.f32.msk $0xffff, v1  }
0x13e: {  	v4 =	vand.u32 $0xFFFFFFF0, v4;
	[tilespmem:v8+s19+$0x0] =	vst.idx.add.f32.msk $0xffff, v11  }
0x13f: {  	v5 =	vadd.f32 v5, v2;
	v11 =	vor.u32 v0, v4;
	v7 =	vld [tilespmem:s30+$0x430]  }
0x140: {  	v4 =	vld [tilespmem:s30+$0x7430];
	s30 =	smov.u32 s31;
	s31 =	smov.u32 s0;
	s0 =	smov.u32 s1  }
0x141: {  	s1 =	smov.u32 s16;
	s16 =	smov.u32 s25;
	[tilespmem:v9+s18+$0x0] =	vst.idx.add.f32.msk $0xffff, v1;
	v8 =	vmul.f32 v13, v3;
	v5 =	vtrunc.f32 v5  }
.Ltmp2:
0x142: {  	[tilespmem:v9+s19+$0x0] =	vst.idx.add.f32.msk $0xffff, v10;
	v5 =	vcvt.f32.s32 v5;
	(pc) =	sbr.rel @p0 .LBB2_3-.Ltmp2, $4  }
0x143: {  	v10 =	vld [tilespmem:s16+$0x20];
	v9 =	vadd.f32 v8, v2  }
0x144: {  	v5 =	vand.u32 $0xFFFFFFF0, v5;
	[tilespmem:v11+s18+$0x0] =	vst.idx.add.f32.msk $0xffff, v1;
	v13 =	vmul.f32 v7, v3  }
0x145: {  	v8 =	vld [tilespmem:s1+$0x7040];
	v9 =	vtrunc.f32 v9;
	v7 =	vor.u32 v0, v5  }
0x146: {  	s5 =	sadd.s32 $0x80, s5;
	s26 =	smov.u32 s20;
	v9 =	vcvt.f32.s32 v9;
	[tilespmem:v11+s19+$0x0] =	vst.idx.add.f32.msk $0xffff, v12;
	v5 =	vadd.f32 v13, v2  }
0x147: {  	_ = 	snop  }
0x148: {  	v10 =	vmul.f32 v10, v3;
	_ =	sdelay $0x1  }
0x149: {  	v10 =	vadd.f32 v10, v2;
	_ =	sdelay $0x1  }
0x14a: {  	v10 =	vtrunc.f32 v10  }
0x14b: {  	v10 =	vcvt.f32.s32 v10;
	_ =	sdelay $0x1  }
0x14c: {  	v10 =	vand.u32 $0xFFFFFFF0, v10  }
0x14d: {  	v10 =	vor.u32 v0, v10  }
0x14e: {  	v11 =	vld [tilespmem:s16+$0x7020];
	_ =	sdelay $0x3  }
0x14f: {  	[tilespmem:v10+s18+$0x0] =	vst.idx.add.f32.msk $0xffff, v1  }
0x150: {  	[tilespmem:v10+s19+$0x0] =	vst.idx.add.f32.msk $0xffff, v11  }
0x151: {  	v10 =	vld [tilespmem:s16+$0x30];
	_ =	sdelay $0x4  }
0x152: {  	v10 =	vmul.f32 v10, v3;
	_ =	sdelay $0x1  }
0x153: {  	v10 =	vadd.f32 v10, v2;
	_ =	sdelay $0x1  }
0x154: {  	v10 =	vtrunc.f32 v10  }
0x155: {  	v10 =	vcvt.f32.s32 v10;
	_ =	sdelay $0x1  }
0x156: {  	v10 =	vand.u32 $0xFFFFFFF0, v10  }
0x157: {  	v10 =	vor.u32 v0, v10  }
0x158: {  	v11 =	vld [tilespmem:s16+$0x7030];
	_ =	sdelay $0x3  }
0x159: {  	[tilespmem:v10+s18+$0x0] =	vst.idx.add.f32.msk $0xffff, v1  }
0x15a: {  	[tilespmem:v10+s19+$0x0] =	vst.idx.add.f32.msk $0xffff, v11  }
0x15b: {  	v10 =	vld [tilespmem:s16+$0x40];
	_ =	sdelay $0x4  }
0x15c: {  	v10 =	vmul.f32 v10, v3;
	_ =	sdelay $0x1  }
0x15d: {  	v10 =	vadd.f32 v10, v2;
	_ =	sdelay $0x1  }
0x15e: {  	v9 =	vand.u32 $0xFFFFFFF0, v9;
	v10 =	vtrunc.f32 v10  }
0x15f: {  	v9 =	vor.u32 v0, v9;
	v10 =	vcvt.f32.s32 v10;
	_ =	sdelay $0x1  }
0x160: {  	v10 =	vand.u32 $0xFFFFFFF0, v10  }
0x161: {  	v10 =	vor.u32 v0, v10  }
0x162: {  	v11 =	vld [tilespmem:s16+$0x7040]  }
0x163: {  	[tilespmem:v9+s18+$0x0] =	vst.idx.add.f32.msk $0xffff, v1  }
0x164: {  	[tilespmem:v9+s19+$0x0] =	vst.idx.add.f32.msk $0xffff, v8  }
0x165: {  	v8 =	vld [tilespmem:s1+$0x50]  }
0x166: {  	[tilespmem:v10+s18+$0x0] =	vst.idx.add.f32.msk $0xffff, v1  }
0x167: {  	[tilespmem:v10+s19+$0x0] =	vst.idx.add.f32.msk $0xffff, v11  }
0x168: {  	v9 =	vld [tilespmem:s16+$0x50];
	_ =	sdelay $0x1  }
0x169: {  	v8 =	vmul.f32 v8, v3;
	_ =	sdelay $0x1  }
0x16a: {  	v8 =	vadd.f32 v8, v2  }
0x16b: {  	v9 =	vmul.f32 v9, v3  }
0x16c: {  	v8 =	vtrunc.f32 v8  }
0x16d: {  	v8 =	vcvt.f32.s32 v8;
	v9 =	vadd.f32 v9, v2;
	_ =	sdelay $0x1  }
0x16e: {  	v8 =	vand.u32 $0xFFFFFFF0, v8;
	v9 =	vtrunc.f32 v9  }
0x16f: {  	v8 =	vor.u32 v0, v8;
	v9 =	vcvt.f32.s32 v9  }
0x170: {  	v10 =	vld [tilespmem:s1+$0x7050]  }
0x171: {  	v9 =	vand.u32 $0xFFFFFFF0, v9  }
0x172: {  	v9 =	vor.u32 v0, v9  }
0x173: {  	v11 =	vld [tilespmem:s16+$0x7050]  }
0x174: {  	[tilespmem:v8+s18+$0x0] =	vst.idx.add.f32.msk $0xffff, v1  }
0x175: {  	[tilespmem:v8+s19+$0x0] =	vst.idx.add.f32.msk $0xffff, v10  }
0x176: {  	v8 =	vld [tilespmem:s1+$0x60]  }
0x177: {  	[tilespmem:v9+s18+$0x0] =	vst.idx.add.f32.msk $0xffff, v1  }
0x178: {  	[tilespmem:v9+s19+$0x0] =	vst.idx.add.f32.msk $0xffff, v11  }
0x179: {  	v9 =	vld [tilespmem:s16+$0x60];
	_ =	sdelay $0x1  }
0x17a: {  	v8 =	vmul.f32 v8, v3;
	_ =	sdelay $0x1  }
0x17b: {  	v8 =	vadd.f32 v8, v2  }
0x17c: {  	v9 =	vmul.f32 v9, v3  }
0x17d: {  	v8 =	vtrunc.f32 v8  }
0x17e: {  	v8 =	vcvt.f32.s32 v8;
	v9 =	vadd.f32 v9, v2  }
0x17f: {  	[tilespmem:v7+s18+$0x0] =	vst.idx.add.f32.msk $0xffff, v1  }
0x180: {  	[tilespmem:v7+s19+$0x0] =	vst.idx.add.f32.msk $0xffff, v6;
	v7 =	vand.u32 $0xFFFFFFF0, v8;
	v8 =	vtrunc.f32 v9  }
0x181: {  	v6 =	vld [tilespmem:s0+$0x70];
	v7 =	vor.u32 v0, v7;
	v8 =	vcvt.f32.s32 v8  }
0x182: {  	v9 =	vld [tilespmem:s1+$0x7060]  }
0x183: {  	v8 =	vand.u32 $0xFFFFFFF0, v8  }
0x184: {  	v8 =	vor.u32 v0, v8  }
0x185: {  	v10 =	vld [tilespmem:s16+$0x7060]  }
0x186: {  	v6 =	vmul.f32 v6, v3;
	[tilespmem:v7+s18+$0x0] =	vst.idx.add.f32.msk $0xffff, v1  }
0x187: {  	[tilespmem:v7+s19+$0x0] =	vst.idx.add.f32.msk $0xffff, v9  }
0x188: {  	v6 =	vadd.f32 v6, v2;
	v7 =	vld [tilespmem:s1+$0x70]  }
0x189: {  	[tilespmem:v8+s18+$0x0] =	vst.idx.add.f32.msk $0xffff, v1  }
0x18a: {  	v6 =	vtrunc.f32 v6;
	[tilespmem:v8+s19+$0x0] =	vst.idx.add.f32.msk $0xffff, v10  }
0x18b: {  	v6 =	vcvt.f32.s32 v6;
	v8 =	vld [tilespmem:s16+$0x70];
	_ =	sdelay $0x1  }
0x18c: {  	v6 =	vand.u32 $0xFFFFFFF0, v6;
	v7 =	vmul.f32 v7, v3  }
0x18d: {  	v6 =	vor.u32 v0, v6  }
0x18e: {  	v9 =	vld [tilespmem:s0+$0x7070];
	v7 =	vadd.f32 v7, v2  }
0x18f: {  	v8 =	vmul.f32 v8, v3  }
0x190: {  	v7 =	vtrunc.f32 v7  }
0x191: {  	v7 =	vcvt.f32.s32 v7;
	v8 =	vadd.f32 v8, v2  }
0x192: {  	[tilespmem:v6+s18+$0x0] =	vst.idx.add.f32.msk $0xffff, v1  }
0x193: {  	[tilespmem:v6+s19+$0x0] =	vst.idx.add.f32.msk $0xffff, v9;
	v7 =	vand.u32 $0xFFFFFFF0, v7;
	v8 =	vtrunc.f32 v8  }
0x194: {  	v6 =	vld [tilespmem:s0+$0x400];
	v7 =	vor.u32 v0, v7;
	v8 =	vcvt.f32.s32 v8  }
0x195: {  	v9 =	vld [tilespmem:s1+$0x7070]  }
0x196: {  	v8 =	vand.u32 $0xFFFFFFF0, v8  }
0x197: {  	v8 =	vor.u32 v0, v8  }
0x198: {  	v10 =	vld [tilespmem:s16+$0x7070]  }
0x199: {  	v6 =	vmul.f32 v6, v3;
	[tilespmem:v7+s18+$0x0] =	vst.idx.add.f32.msk $0xffff, v1  }
0x19a: {  	[tilespmem:v7+s19+$0x0] =	vst.idx.add.f32.msk $0xffff, v9  }
0x19b: {  	v6 =	vadd.f32 v6, v2;
	v7 =	vld [tilespmem:s1+$0x400]  }
0x19c: {  	[tilespmem:v8+s18+$0x0] =	vst.idx.add.f32.msk $0xffff, v1  }
0x19d: {  	v6 =	vtrunc.f32 v6;
	[tilespmem:v8+s19+$0x0] =	vst.idx.add.f32.msk $0xffff, v10  }
0x19e: {  	v6 =	vcvt.f32.s32 v6;
	v8 =	vld [tilespmem:s16+$0x400];
	_ =	sdelay $0x1  }
0x19f: {  	v6 =	vand.u32 $0xFFFFFFF0, v6;
	v7 =	vmul.f32 v7, v3  }
0x1a0: {  	v6 =	vor.u32 v0, v6;
	v9 =	vld [tilespmem:s30+$0x410]  }
0x1a1: {  	v10 =	vld [tilespmem:s0+$0x7400];
	v7 =	vadd.f32 v7, v2  }
0x1a2: {  	v8 =	vmul.f32 v8, v3  }
0x1a3: {  	v7 =	vtrunc.f32 v7  }
0x1a4: {  	v11 =	vld [tilespmem:s31+$0x410];
	v7 =	vcvt.f32.s32 v7;
	v8 =	vadd.f32 v8, v2  }
0x1a5: {  	[tilespmem:v6+s18+$0x0] =	vst.idx.add.f32.msk $0xffff, v1  }
0x1a6: {  	v9 =	vmul.f32 v9, v3;
	[tilespmem:v6+s19+$0x0] =	vst.idx.add.f32.msk $0xffff, v10;
	v6 =	vand.u32 $0xFFFFFFF0, v7;
	v7 =	vtrunc.f32 v8  }
0x1a7: {  	v10 =	vld [tilespmem:s0+$0x410];
	v6 =	vor.u32 v0, v6;
	v7 =	vcvt.f32.s32 v7  }
0x1a8: {  	v8 =	vadd.f32 v9, v2;
	v9 =	vld [tilespmem:s1+$0x7400]  }
0x1a9: {  	v7 =	vand.u32 $0xFFFFFFF0, v7  }
0x1aa: {  	v12 =	vld [tilespmem:s30+$0x7410];
	v11 =	vmul.f32 v11, v3;
	v8 =	vtrunc.f32 v8;
	v7 =	vor.u32 v0, v7  }
0x1ab: {  	v13 =	vld [tilespmem:s16+$0x7400];
	v8 =	vcvt.f32.s32 v8  }
0x1ac: {  	v11 =	vadd.f32 v11, v2;
	[tilespmem:v6+s18+$0x0] =	vst.idx.add.f32.msk $0xffff, v1  }
0x1ad: {  	v8 =	vand.u32 $0xFFFFFFF0, v8;
	[tilespmem:v6+s19+$0x0] =	vst.idx.add.f32.msk $0xffff, v9;
	v6 =	vmul.f32 v10, v3  }
0x1ae: {  	v9 =	vtrunc.f32 v11;
	v8 =	vor.u32 v0, v8;
	v10 =	vld [tilespmem:s1+$0x410]  }
0x1af: {  	v9 =	vcvt.f32.s32 v9;
	v6 =	vadd.f32 v6, v2;
	[tilespmem:v7+s18+$0x0] =	vst.idx.add.f32.msk $0xffff, v1  }
0x1b0: {  	[tilespmem:v7+s19+$0x0] =	vst.idx.add.f32.msk $0xffff, v13  }
0x1b1: {  	v6 =	vtrunc.f32 v6;
	v7 =	vand.u32 $0xFFFFFFF0, v9;
	v9 =	vld [tilespmem:s16+$0x410]  }
0x1b2: {  	v11 =	vld [tilespmem:s31+$0x7410];
	v6 =	vcvt.f32.s32 v6;
	v7 =	vor.u32 v0, v7  }
0x1b3: {  	[tilespmem:v8+s18+$0x0] =	vst.idx.add.f32.msk $0xffff, v1;
	v10 =	vmul.f32 v10, v3  }
0x1b4: {  	[tilespmem:v8+s19+$0x0] =	vst.idx.add.f32.msk $0xffff, v12;
	v6 =	vand.u32 $0xFFFFFFF0, v6  }
0x1b5: {  	v8 =	vld [tilespmem:s30+$0x420];
	v6 =	vor.u32 v0, v6;
	v10 =	vadd.f32 v10, v2  }
0x1b6: {  	v54 =	vld [tilespmem:s0+$0x7410];
	v9 =	vmul.f32 v9, v3  }
0x1b7: {  	v10 =	vtrunc.f32 v10;
	[tilespmem:v7+s18+$0x0] =	vst.idx.add.f32.msk $0xffff, v1  }
0x1b8: {  	[tilespmem:v7+s19+$0x0] =	vst.idx.add.f32.msk $0xffff, v11;
	v7 =	vcvt.f32.s32 v10;
	v9 =	vadd.f32 v9, v2  }
0x1b9: {  	v10 =	vld [tilespmem:s31+$0x420]  }
0x1ba: {  	v8 =	vmul.f32 v8, v3;
	[tilespmem:v6+s18+$0x0] =	vst.idx.add.f32.msk $0xffff, v1;
	v7 =	vand.u32 $0xFFFFFFF0, v7;
	v9 =	vtrunc.f32 v9  }
0x1bb: {  	[tilespmem:v6+s19+$0x0] =	vst.idx.add.f32.msk $0xffff, v54;
	v6 =	vor.u32 v0, v7;
	v7 =	vcvt.f32.s32 v9  }
0x1bc: {  	v8 =	vadd.f32 v8, v2;
	v9 =	vld [tilespmem:s1+$0x7410]  }
0x1bd: {  	v11 =	vld [tilespmem:s0+$0x420];
	v7 =	vand.u32 $0xFFFFFFF0, v7  }
0x1be: {  	v13 =	vld [tilespmem:s16+$0x7410];
	v8 =	vtrunc.f32 v8;
	v10 =	vmul.f32 v10, v3;
	v7 =	vor.u32 v0, v7  }
0x1bf: {  	v55 =	vld [tilespmem:s30+$0x7420];
	v8 =	vcvt.f32.s32 v8  }
0x1c0: {  	v10 =	vadd.f32 v10, v2;
	[tilespmem:v6+s18+$0x0] =	vst.idx.add.f32.msk $0xffff, v1  }
0x1c1: {  	v8 =	vand.u32 $0xFFFFFFF0, v8;
	[tilespmem:v6+s19+$0x0] =	vst.idx.add.f32.msk $0xffff, v9  }
0x1c2: {  	v6 =	vor.u32 v0, v8;
	v9 =	vmul.f32 v11, v3;
	v8 =	vtrunc.f32 v10;
	v10 =	vld [tilespmem:s1+$0x420]  }
0x1c3: {  	v8 =	vcvt.f32.s32 v8;
	[tilespmem:v7+s18+$0x0] =	vst.idx.add.f32.msk $0xffff, v1  }
0x1c4: {  	v9 =	vadd.f32 v9, v2;
	[tilespmem:v7+s19+$0x0] =	vst.idx.add.f32.msk $0xffff, v13  }
0x1c5: {  	v7 =	vand.u32 $0xFFFFFFF0, v8;
	v8 =	vld [tilespmem:s16+$0x420]  }
0x1c6: {  	v9 =	vtrunc.f32 v9  }
0x1c7: {  	v11 =	vld [tilespmem:s31+$0x7420];
	v7 =	vor.u32 v0, v7;
	v9 =	vcvt.f32.s32 v9;
	v10 =	vmul.f32 v10, v3  }
0x1c8: {  	[tilespmem:v6+s18+$0x0] =	vst.idx.add.f32.msk $0xffff, v1  }
0x1c9: {  	[tilespmem:v6+s19+$0x0] =	vst.idx.add.f32.msk $0xffff, v55;
	v6 =	vand.u32 $0xFFFFFFF0, v9;
	v9 =	vadd.f32 v10, v2  }
0x1ca: {  	v56 =	vld [tilespmem:s0+$0x7420];
	v8 =	vmul.f32 v8, v3  }
0x1cb: {  	v10 =	vld [tilespmem:s30+$0x430];
	v6 =	vor.u32 v0, v6;
	v9 =	vtrunc.f32 v9  }
0x1cc: {  	[tilespmem:v7+s18+$0x0] =	vst.idx.add.f32.msk $0xffff, v1;
	v9 =	vcvt.f32.s32 v9;
	v8 =	vadd.f32 v8, v2  }
0x1cd: {  	[tilespmem:v7+s19+$0x0] =	vst.idx.add.f32.msk $0xffff, v11  }
0x1ce: {  	v11 =	vld [tilespmem:s1+$0x7420];
	v9 =	vand.u32 $0xFFFFFFF0, v9;
	v8 =	vtrunc.f32 v8  }
0x1cf: {  	v7 =	vld [tilespmem:s31+$0x430];
	v9 =	vor.u32 v0, v9;
	v8 =	vcvt.f32.s32 v8  }
0x1d0: {  	[tilespmem:v6+s18+$0x0] =	vst.idx.add.f32.msk $0xffff, v1  }
0x1d1: {  	[tilespmem:v6+s19+$0x0] =	vst.idx.add.f32.msk $0xffff, v56;
	v6 =	vand.u32 $0xFFFFFFF0, v8  }
0x1d2: {  	v57 =	vld [tilespmem:s16+$0x7420];
	v6 =	vor.u32 v0, v6  }
0x1d3: {  	v10 =	vmul.f32 v10, v3;
	v8 =	vld [tilespmem:s0+$0x430]  }
0x1d4: {  	v5 =	vtrunc.f32 v5;
	[tilespmem:v9+s18+$0x0] =	vst.idx.add.f32.msk $0xffff, v1  }
0x1d5: {  	v5 =	vcvt.f32.s32 v5;
	v10 =	vadd.f32 v10, v2;
	v7 =	vmul.f32 v7, v3;
	[tilespmem:v9+s19+$0x0] =	vst.idx.add.f32.msk $0xffff, v11  }
0x1d6: {  	v9 =	vld [tilespmem:s1+$0x430]  }
0x1d7: {  	v5 =	vand.u32 $0xFFFFFFF0, v5;
	v10 =	vtrunc.f32 v10;
	v7 =	vadd.f32 v7, v2;
	[tilespmem:v6+s18+$0x0] =	vst.idx.add.f32.msk $0xffff, v1  }
0x1d8: {  	v5 =	vor.u32 v0, v5;
	v10 =	vcvt.f32.s32 v10;
	[tilespmem:v6+s19+$0x0] =	vst.idx.add.f32.msk $0xffff, v57  }
0x1d9: {  	v6 =	vtrunc.f32 v7;
	v7 =	vmul.f32 v8, v3;
	v8 =	vld [tilespmem:s16+$0x430]  }
0x1da: {  	v10 =	vand.u32 $0xFFFFFFF0, v10;
	v6 =	vcvt.f32.s32 v6  }
0x1db: {  	v10 =	vor.u32 v0, v10;
	v7 =	vadd.f32 v7, v2  }
0x1dc: {  	v11 =	vld [tilespmem:s30+$0x7430];
	v9 =	vmul.f32 v9, v3;
	v6 =	vand.u32 $0xFFFFFFF0, v6  }
0x1dd: {  	[tilespmem:v5+s18+$0x0] =	vst.idx.add.f32.msk $0xffff, v1;
	v6 =	vor.u32 v0, v6;
	v7 =	vtrunc.f32 v7  }
0x1de: {  	[tilespmem:v5+s19+$0x0] =	vst.idx.add.f32.msk $0xffff, v4;
	v5 =	vadd.f32 v9, v2;
	v4 =	vcvt.f32.s32 v7;
	v7 =	vmul.f32 v8, v3  }
0x1df: {  	v8 =	vld [tilespmem:s31+$0x7430]  }
0x1e0: {  	[tilespmem:v10+s18+$0x0] =	vst.idx.add.f32.msk $0xffff, v1;
	v5 =	vtrunc.f32 v5;
	v7 =	vadd.f32 v7, v2  }
0x1e1: {  	[tilespmem:v10+s19+$0x0] =	vst.idx.add.f32.msk $0xffff, v11;
	v4 =	vand.u32 $0xFFFFFFF0, v4;
	v5 =	vcvt.f32.s32 v5  }
0x1e2: {  	v9 =	vld [tilespmem:s0+$0x7430];
	v4 =	vor.u32 v0, v4;
	v7 =	vtrunc.f32 v7  }
0x1e3: {  	[tilespmem:v6+s18+$0x0] =	vst.idx.add.f32.msk $0xffff, v1;
	v5 =	vand.u32 $0xFFFFFFF0, v5;
	v7 =	vcvt.f32.s32 v7  }
0x1e4: {  	v5 =	vor.u32 v0, v5;
	[tilespmem:v6+s19+$0x0] =	vst.idx.add.f32.msk $0xffff, v8  }
0x1e5: {  	v6 =	vld [tilespmem:s1+$0x7430];
	v7 =	vand.u32 $0xFFFFFFF0, v7  }
0x1e6: {  	v8 =	vld [tilespmem:s16+$0x7430];
	v7 =	vor.u32 v0, v7  }
0x1e7: {  	[tilespmem:v4+s18+$0x0] =	vst.idx.add.f32.msk $0xffff, v1  }
0x1e8: {  	p0 =	seq.s32 s29, $0x1B;
	s30 =	sshll.u32 s29, $0x1;
	[tilespmem:v4+s19+$0x0] =	vst.idx.add.f32.msk $0xffff, v9  }
0x1e9: {  	s0 =	sadd.s32 @!p0 s30, s11;
	[tilespmem:v5+s18+$0x0] =	vst.idx.add.f32.msk $0xffff, v1  }
0x1ea: {  	s0 =	smul.u32 @!p0 $0x700, s0;
	[tilespmem:v5+s19+$0x0] =	vst.idx.add.f32.msk $0xffff, v6  }
0x1eb: {  	[tilespmem:v7+s18+$0x0] =	vst.idx.add.f32.msk $0xffff, v1  }
0x1ec: {  	s5 =	simm.s32 @!p0 $0x0;
	s1 =	sadd.s32 @!p0 s2, s0;
	[tilespmem:v7+s19+$0x0] =	vst.idx.add.f32.msk $0xffff, v8  }
0x1ed: {  	[tilespmem:s5], [sflag:$0x1] =	stream.linear.gather @!p0 [hbm4b:s1+s5], $0x3800, $0x38;
	[tilespmem:$0x12D00] =	vst v63  }
0x1ee: {  	s0 =	sadd.s32 @!p0 s4, s0;
	s1 =	simm.s32 @!p0 $0x7000  }
0x1ef: {  	[tilespmem:s1], [sflag:$0x1] =	stream.linear.gather @!p0 [hbm4b:s0+s5], $0x3800, $0x38;
	[tilespmem:$0x12D00] =	vst v63  }
0x1f0: {  	_ =	swait.ge [sflag:s24], $0x3800  }
0x1f1: {  	[sflag:s24] =	ssyncset.done $0x0  }
0x1f2: {  	[sflag:s24] =	ssyncadd.s32 $0xFFFFC800  }
0x1f3: {  	s16 =	simm.s32 $0x0;
	_ =	swait.ge [sflag:s24], $0x3800  }
0x1f4: {  	s20 =	sand.u32 $0x3800, s16;
	s0 =	sand.u32 $0x380, s16;
	[sflag:s24] =	ssyncset.done $0x0  }
0x1f5: {  	s5 =	sor.u32 s0, s20;
	[sflag:s24] =	ssyncadd.s32 $0xFFFFC800  }
0x1f6: {  	v4 =	vld [tilespmem:s5+$0x3800];
	_ =	sdelay $0x4  }
0x1f7: {  	v4 =	vmul.f32 v4, v3;
	_ =	sdelay $0x1  }
0x1f8: {  	v4 =	vadd.f32 v4, v2;
	_ =	sdelay $0x1  }
0x1f9: {  	v4 =	vtrunc.f32 v4  }
0x1fa: {  	v4 =	vcvt.f32.s32 v4;
	_ =	sdelay $0x1  }
0x1fb: {  	v4 =	vand.u32 $0xFFFFFFF0, v4  }
0x1fc: {  	v4 =	vor.u32 v0, v4  }
0x1fd: {  	v5 =	vld [tilespmem:s5+$0xA800];
	_ =	sdelay $0x3  }
0x1fe: {  	[tilespmem:v4+s18+$0x0] =	vst.idx.add.f32.msk $0xffff, v1  }
0x1ff: {  	[tilespmem:v4+s19+$0x0] =	vst.idx.add.f32.msk $0xffff, v5  }
0x200: {  	v4 =	vld [tilespmem:s5+$0x3810];
	_ =	sdelay $0x3  }
0x201: {  	s25 =	simm.s32 $0x100;
	s26 =	simm.s32 $0x80  }
0x202: {  	s1 =	sand.u32 $0x380, s26;
	s0 =	sand.u32 $0x3800, s25;
	v4 =	vmul.f32 v4, v3  }
0x203: {  	s31 =	sor.u32 s1, s0  }
0x204: {  	v5 =	vld [tilespmem:s31+$0x3800];
	v4 =	vadd.f32 v4, v2;
	_ =	sdelay $0x1  }
0x205: {  	v4 =	vtrunc.f32 v4  }
0x206: {  	v4 =	vcvt.f32.s32 v4;
	_ =	sdelay $0x1  }
0x207: {  	v5 =	vmul.f32 v5, v3;
	v4 =	vand.u32 $0xFFFFFFF0, v4  }
0x208: {  	v4 =	vor.u32 v0, v4  }
0x209: {  	v6 =	vld [tilespmem:s5+$0xA810];
	v5 =	vadd.f32 v5, v2;
	_ =	sdelay $0x1  }
0x20a: {  	v5 =	vtrunc.f32 v5  }
0x20b: {  	v5 =	vcvt.f32.s32 v5  }
0x20c: {  	[tilespmem:v4+s18+$0x0] =	vst.idx.add.f32.msk $0xffff, v1  }
0x20d: {  	[tilespmem:v4+s19+$0x0] =	vst.idx.add.f32.msk $0xffff, v6;
	v4 =	vand.u32 $0xFFFFFFF0, v5  }
0x20e: {  	v5 =	vld [tilespmem:s5+$0x3820];
	v4 =	vor.u32 v0, v4  }
0x20f: {  	v6 =	vld [tilespmem:s31+$0xA800];
	_ =	sdelay $0x3  }
0x210: {  	v5 =	vmul.f32 v5, v3;
	[tilespmem:v4+s18+$0x0] =	vst.idx.add.f32.msk $0xffff, v1  }
0x211: {  	[tilespmem:v4+s19+$0x0] =	vst.idx.add.f32.msk $0xffff, v6  }
0x212: {  	v4 =	vadd.f32 v5, v2;
	v5 =	vld [tilespmem:s31+$0x3810];
	_ =	sdelay $0x1  }
0x213: {  	v4 =	vtrunc.f32 v4  }
0x214: {  	v4 =	vcvt.f32.s32 v4;
	_ =	sdelay $0x1  }
0x215: {  	v4 =	vand.u32 $0xFFFFFFF0, v4;
	v5 =	vmul.f32 v5, v3  }
0x216: {  	v4 =	vor.u32 v0, v4  }
0x217: {  	v6 =	vld [tilespmem:s5+$0xA820];
	v5 =	vadd.f32 v5, v2;
	_ =	sdelay $0x1  }
0x218: {  	v5 =	vtrunc.f32 v5  }
0x219: {  	v5 =	vcvt.f32.s32 v5  }
0x21a: {  	[tilespmem:v4+s18+$0x0] =	vst.idx.add.f32.msk $0xffff, v1  }
0x21b: {  	[tilespmem:v4+s19+$0x0] =	vst.idx.add.f32.msk $0xffff, v6;
	v4 =	vand.u32 $0xFFFFFFF0, v5  }
0x21c: {  	v5 =	vld [tilespmem:s5+$0x3830];
	v4 =	vor.u32 v0, v4  }
0x21d: {  	v6 =	vld [tilespmem:s31+$0xA810];
	_ =	sdelay $0x3  }
0x21e: {  	[tilespmem:v4+s18+$0x0] =	vst.idx.add.f32.msk $0xffff, v1;
	v5 =	vmul.f32 v5, v3  }
0x21f: {  	[tilespmem:v4+s19+$0x0] =	vst.idx.add.f32.msk $0xffff, v6  }
0x220: {  	v4 =	vld [tilespmem:s31+$0x3820];
	v5 =	vadd.f32 v5, v2;
	_ =	sdelay $0x1  }
0x221: {  	v5 =	vtrunc.f32 v5  }
0x222: {  	s7 =	simm.s32 $0x200;
	s8 =	simm.s32 $0x100;
	v5 =	vcvt.f32.s32 v5  }
0x223: {  	s0 =	sand.u32 $0x3800, s7;
	s1 =	sand.u32 $0x380, s8  }
0x224: {  	s0 =	sor.u32 s1, s0;
	v4 =	vmul.f32 v4, v3;
	v5 =	vand.u32 $0xFFFFFFF0, v5  }
0x225: {  	v6 =	vld [tilespmem:s0+$0x3800];
	v5 =	vor.u32 v0, v5  }
0x226: {  	v7 =	vld [tilespmem:s5+$0xA830];
	v4 =	vadd.f32 v4, v2;
	_ =	sdelay $0x1  }
0x227: {  	v4 =	vtrunc.f32 v4  }
0x228: {  	v4 =	vcvt.f32.s32 v4  }
0x229: {  	v6 =	vmul.f32 v6, v3;
	[tilespmem:v5+s18+$0x0] =	vst.idx.add.f32.msk $0xffff, v1  }
0x22a: {  	v4 =	vand.u32 $0xFFFFFFF0, v4;
	[tilespmem:v5+s19+$0x0] =	vst.idx.add.f32.msk $0xffff, v7  }
0x22b: {  	v6 =	vadd.f32 v6, v2;
	v7 =	vld [tilespmem:s31+$0xA820];
	v4 =	vor.u32 v0, v4  }
0x22c: {  	v5 =	vld [tilespmem:s5+$0x3840]  }
0x22d: {  	v6 =	vtrunc.f32 v6  }
0x22e: {  	v6 =	vcvt.f32.s32 v6  }
0x22f: {  	v8 =	vld [tilespmem:s0+$0xA800]  }
0x230: {  	v6 =	vand.u32 $0xFFFFFFF0, v6;
	[tilespmem:v4+s18+$0x0] =	vst.idx.add.f32.msk $0xffff, v1  }
0x231: {  	v6 =	vor.u32 v0, v6;
	v5 =	vmul.f32 v5, v3;
	[tilespmem:v4+s19+$0x0] =	vst.idx.add.f32.msk $0xffff, v7  }
0x232: {  	v4 =	vld [tilespmem:s31+$0x3830]  }
0x233: {  	v5 =	vadd.f32 v5, v2;
	_ =	sdelay $0x1  }
0x234: {  	v5 =	vtrunc.f32 v5  }
0x235: {  	[tilespmem:v6+s18+$0x0] =	vst.idx.add.f32.msk $0xffff, v1;
	v5 =	vcvt.f32.s32 v5  }
0x236: {  	[tilespmem:v6+s19+$0x0] =	vst.idx.add.f32.msk $0xffff, v8;
	v4 =	vmul.f32 v4, v3  }
0x237: {  	v6 =	vld [tilespmem:s0+$0x3810];
	v5 =	vand.u32 $0xFFFFFFF0, v5  }
0x238: {  	v5 =	vor.u32 v0, v5;
	v4 =	vadd.f32 v4, v2  }
0x239: {  	v7 =	vld [tilespmem:s5+$0xA840]  }
0x23a: {  	v4 =	vtrunc.f32 v4  }
0x23b: {  	v4 =	vcvt.f32.s32 v4  }
0x23c: {  	v6 =	vmul.f32 v6, v3  }
0x23d: {  	[tilespmem:v5+s18+$0x0] =	vst.idx.add.f32.msk $0xffff, v1;
	v4 =	vand.u32 $0xFFFFFFF0, v4  }
0x23e: {  	[tilespmem:v5+s19+$0x0] =	vst.idx.add.f32.msk $0xffff, v7;
	v5 =	vadd.f32 v6, v2;
	v4 =	vor.u32 v0, v4  }
0x23f: {  	v6 =	vld [tilespmem:s31+$0xA830]  }
0x240: {  	v5 =	vtrunc.f32 v5  }
0x241: {  	v7 =	vld [tilespmem:s5+$0x3850];
	v5 =	vcvt.f32.s32 v5  }
0x242: {  	v8 =	vld [tilespmem:s0+$0xA810]  }
0x243: {  	v5 =	vand.u32 $0xFFFFFFF0, v5;
	[tilespmem:v4+s18+$0x0] =	vst.idx.add.f32.msk $0xffff, v1  }
0x244: {  	[tilespmem:v4+s19+$0x0] =	vst.idx.add.f32.msk $0xffff, v6;
	v4 =	vor.u32 v0, v5  }
0x245: {  	v6 =	vld [tilespmem:s31+$0x3840]  }
0x246: {  	v5 =	vmul.f32 v7, v3;
	_ =	sdelay $0x1  }
0x247: {  	v5 =	vadd.f32 v5, v2  }
0x248: {  	[tilespmem:v4+s18+$0x0] =	vst.idx.add.f32.msk $0xffff, v1  }
0x249: {  	v5 =	vtrunc.f32 v5;
	v6 =	vmul.f32 v6, v3;
	[tilespmem:v4+s19+$0x0] =	vst.idx.add.f32.msk $0xffff, v8  }
0x24a: {  	s16 =	simm.s32 $0x300;
	s7 =	simm.s32 $0x180;
	v5 =	vcvt.f32.s32 v5;
	v4 =	vld [tilespmem:s0+$0x3820]  }
0x24b: {  	s1 =	sand.u32 $0x3800, s16;
	s7 =	sand.u32 $0x380, s7;
	v6 =	vadd.f32 v6, v2  }
0x24c: {  	s1 =	sor.u32 s7, s1;
	v5 =	vand.u32 $0xFFFFFFF0, v5  }
0x24d: {  	v7 =	vld [tilespmem:s1+$0x3800];
	v5 =	vor.u32 v0, v5;
	v6 =	vtrunc.f32 v6  }
0x24e: {  	v8 =	vld [tilespmem:s5+$0xA850];
	v6 =	vcvt.f32.s32 v6  }
0x24f: {  	v4 =	vmul.f32 v4, v3  }
0x250: {  	v6 =	vand.u32 $0xFFFFFFF0, v6  }
0x251: {  	v9 =	vld [tilespmem:s31+$0xA840];
	v6 =	vor.u32 v0, v6;
	v4 =	vadd.f32 v4, v2  }
0x252: {  	[tilespmem:v5+s18+$0x0] =	vst.idx.add.f32.msk $0xffff, v1  }
0x253: {  	v7 =	vmul.f32 v7, v3;
	[tilespmem:v5+s19+$0x0] =	vst.idx.add.f32.msk $0xffff, v8;
	v4 =	vtrunc.f32 v4  }
0x254: {  	v8 =	vld [tilespmem:s0+$0xA820];
	v4 =	vcvt.f32.s32 v4  }
0x255: {  	v7 =	vadd.f32 v7, v2;
	v5 =	vld [tilespmem:s5+$0x3860]  }
0x256: {  	[tilespmem:v6+s18+$0x0] =	vst.idx.add.f32.msk $0xffff, v1;
	v4 =	vand.u32 $0xFFFFFFF0, v4  }
0x257: {  	v7 =	vtrunc.f32 v7;
	[tilespmem:v6+s19+$0x0] =	vst.idx.add.f32.msk $0xffff, v9;
	v4 =	vor.u32 v0, v4  }
0x258: {  	v6 =	vcvt.f32.s32 v7;
	v7 =	vld [tilespmem:s31+$0x3850];
	_ =	sdelay $0x1  }
0x259: {  	v6 =	vand.u32 $0xFFFFFFF0, v6  }
0x25a: {  	v9 =	vld [tilespmem:s1+$0xA800];
	v6 =	vor.u32 v0, v6  }
0x25b: {  	v5 =	vmul.f32 v5, v3;
	[tilespmem:v4+s18+$0x0] =	vst.idx.add.f32.msk $0xffff, v1  }
0x25c: {  	[tilespmem:v4+s19+$0x0] =	vst.idx.add.f32.msk $0xffff, v8;
	v4 =	vmul.f32 v7, v3  }
0x25d: {  	v5 =	vadd.f32 v5, v2;
	v7 =	vld [tilespmem:s0+$0x3830]  }
0x25e: {  	v4 =	vadd.f32 v4, v2  }
0x25f: {  	v5 =	vtrunc.f32 v5;
	[tilespmem:v6+s18+$0x0] =	vst.idx.add.f32.msk $0xffff, v1  }
0x260: {  	v5 =	vcvt.f32.s32 v5;
	[tilespmem:v6+s19+$0x0] =	vst.idx.add.f32.msk $0xffff, v9;
	v4 =	vtrunc.f32 v4  }
0x261: {  	v6 =	vld [tilespmem:s1+$0x3810];
	v4 =	vcvt.f32.s32 v4  }
0x262: {  	v5 =	vand.u32 $0xFFFFFFF0, v5;
	v7 =	vmul.f32 v7, v3  }
0x263: {  	v5 =	vor.u32 v0, v5;
	v4 =	vand.u32 $0xFFFFFFF0, v4  }
0x264: {  	v7 =	vadd.f32 v7, v2;
	v4 =	vor.u32 v0, v4  }
0x265: {  	v8 =	vld [tilespmem:s31+$0xA850]  }
0x266: {  	v10 =	vld [tilespmem:s0+$0xA830];
	v6 =	vmul.f32 v6, v3;
	v7 =	vtrunc.f32 v7  }
0x267: {  	v9 =	vld [tilespmem:s5+$0xA860];
	v7 =	vcvt.f32.s32 v7  }
0x268: {  	[tilespmem:v5+s18+$0x0] =	vst.idx.add.f32.msk $0xffff, v1;
	v6 =	vadd.f32 v6, v2  }
0x269: {  	v7 =	vand.u32 $0xFFFFFFF0, v7;
	[tilespmem:v4+s18+$0x0] =	vst.idx.add.f32.msk $0xffff, v1  }
0x26a: {  	v6 =	vtrunc.f32 v6;
	v7 =	vor.u32 v0, v7;
	[tilespmem:v4+s19+$0x0] =	vst.idx.add.f32.msk $0xffff, v8  }
0x26b: {  	v4 =	vcvt.f32.s32 v6;
	v6 =	vld [tilespmem:s31+$0x3860]  }
0x26c: {  	[tilespmem:v5+s19+$0x0] =	vst.idx.add.f32.msk $0xffff, v9  }
0x26d: {  	v5 =	vld [tilespmem:s5+$0x3870];
	v4 =	vand.u32 $0xFFFFFFF0, v4  }
0x26e: {  	v8 =	vld [tilespmem:s1+$0xA810];
	v4 =	vor.u32 v0, v4  }
0x26f: {  	[tilespmem:v7+s18+$0x0] =	vst.idx.add.f32.msk $0xffff, v1  }
0x270: {  	[tilespmem:v7+s19+$0x0] =	vst.idx.add.f32.msk $0xffff, v10;
	v6 =	vmul.f32 v6, v3  }
0x271: {  	v7 =	vld [tilespmem:s0+$0x3840]  }
0x272: {  	v6 =	vadd.f32 v6, v2  }
0x273: {  	v5 =	vmul.f32 v5, v3;
	[tilespmem:v4+s18+$0x0] =	vst.idx.add.f32.msk $0xffff, v1  }
0x274: {  	[tilespmem:v4+s19+$0x0] =	vst.idx.add.f32.msk $0xffff, v8;
	v4 =	vtrunc.f32 v6  }
0x275: {  	v5 =	vadd.f32 v5, v2;
	v6 =	vld [tilespmem:s1+$0x3820];
	v4 =	vcvt.f32.s32 v4  }
0x276: {  	v7 =	vmul.f32 v7, v3  }
0x277: {  	s20 =	simm.s32 $0x400;
	s25 =	simm.s32 $0x200;
	v5 =	vtrunc.f32 v5;
	v4 =	vand.u32 $0xFFFFFFF0, v4  }
0x278: {  	s16 =	sand.u32 $0x380, s25;
	s7 =	sand.u32 $0x3800, s20;
	v5 =	vcvt.f32.s32 v5;
	v7 =	vadd.f32 v7, v2;
	v4 =	vor.u32 v0, v4  }
0x279: {  	s16 =	sor.u32 s16, s7;
	v8 =	vld [tilespmem:s31+$0xA860]  }
0x27a: {  	v9 =	vld [tilespmem:s16+$0x3800];
	v5 =	vand.u32 $0xFFFFFFF0, v5;
	v6 =	vmul.f32 v6, v3;
	v7 =	vtrunc.f32 v7  }
0x27b: {  	v10 =	vld [tilespmem:s5+$0xA870];
	v5 =	vor.u32 v0, v5;
	v7 =	vcvt.f32.s32 v7  }
0x27c: {  	v11 =	vld [tilespmem:s0+$0xA840];
	v6 =	vadd.f32 v6, v2  }
0x27d: {  	v7 =	vand.u32 $0xFFFFFFF0, v7;
	[tilespmem:v4+s18+$0x0] =	vst.idx.add.f32.msk $0xffff, v1  }
0x27e: {  	v6 =	vtrunc.f32 v6;
	v7 =	vor.u32 v0, v7;
	[tilespmem:v4+s19+$0x0] =	vst.idx.add.f32.msk $0xffff, v8  }
0x27f: {  	v4 =	vcvt.f32.s32 v6;
	v6 =	vld [tilespmem:s31+$0x3870]  }
0x280: {  	[tilespmem:v5+s18+$0x0] =	vst.idx.add.f32.msk $0xffff, v1;
	v8 =	vmul.f32 v9, v3  }
0x281: {  	[tilespmem:v5+s19+$0x0] =	vst.idx.add.f32.msk $0xffff, v10;
	v4 =	vand.u32 $0xFFFFFFF0, v4  }
0x282: {  	v5 =	vadd.f32 v8, v2;
	v8 =	vld [tilespmem:s1+$0xA820];
	v4 =	vor.u32 v0, v4  }
0x283: {  	[tilespmem:v7+s18+$0x0] =	vst.idx.add.f32.msk $0xffff, v1  }
0x284: {  	v5 =	vtrunc.f32 v5;
	[tilespmem:v7+s19+$0x0] =	vst.idx.add.f32.msk $0xffff, v11;
	v6 =	vmul.f32 v6, v3  }
0x285: {  	v5 =	vcvt.f32.s32 v5;
	v7 =	vld [tilespmem:s0+$0x3850]  }
0x286: {  	v9 =	vld [tilespmem:s16+$0xA800];
	v6 =	vadd.f32 v6, v2  }
0x287: {  	v5 =	vand.u32 $0xFFFFFFF0, v5;
	[tilespmem:v4+s18+$0x0] =	vst.idx.add.f32.msk $0xffff, v1  }
0x288: {  	v5 =	vor.u32 v0, v5;
	[tilespmem:v4+s19+$0x0] =	vst.idx.add.f32.msk $0xffff, v8;
	v6 =	vtrunc.f32 v6  }
0x289: {  	v4 =	vcvt.f32.s32 v6;
	v6 =	vld [tilespmem:s1+$0x3830]  }
0x28a: {  	v7 =	vmul.f32 v7, v3  }
0x28b: {  	v10 =	vld [tilespmem:s31+$0xA870]  }
0x28c: {  	v8 =	vld [tilespmem:s5+$0x3C00];
	v4 =	vand.u32 $0xFFFFFFF0, v4;
	v7 =	vadd.f32 v7, v2  }
0x28d: {  	[tilespmem:v5+s18+$0x0] =	vst.idx.add.f32.msk $0xffff, v1;
	v4 =	vor.u32 v0, v4  }
0x28e: {  	[tilespmem:v5+s19+$0x0] =	vst.idx.add.f32.msk $0xffff, v9;
	v5 =	vtrunc.f32 v7;
	v6 =	vmul.f32 v6, v3  }
0x28f: {  	v7 =	vld [tilespmem:s16+$0x3810];
	v5 =	vcvt.f32.s32 v5  }
0x290: {  	v6 =	vadd.f32 v6, v2  }
0x291: {  	v9 =	vld [tilespmem:s0+$0xA850];
	v5 =	vand.u32 $0xFFFFFFF0, v5  }
0x292: {  	v8 =	vmul.f32 v8, v3;
	[tilespmem:v4+s18+$0x0] =	vst.idx.add.f32.msk $0xffff, v1;
	v6 =	vtrunc.f32 v6;
	v5 =	vor.u32 v0, v5  }
0x293: {  	[tilespmem:v4+s19+$0x0] =	vst.idx.add.f32.msk $0xffff, v10;
	v6 =	vcvt.f32.s32 v6  }
0x294: {  	v4 =	vadd.f32 v8, v2;
	v8 =	vld [tilespmem:s31+$0x3C00];
	v7 =	vmul.f32 v7, v3  }
0x295: {  	v11 =	vld [tilespmem:s1+$0xA830];
	v6 =	vand.u32 $0xFFFFFFF0, v6  }
0x296: {  	v10 =	vld [tilespmem:s5+$0xAC00];
	v4 =	vtrunc.f32 v4;
	v7 =	vadd.f32 v7, v2;
	v6 =	vor.u32 v0, v6  }
0x297: {  	v4 =	vcvt.f32.s32 v4;
	[tilespmem:v5+s18+$0x0] =	vst.idx.add.f32.msk $0xffff, v1  }
0x298: {  	v7 =	vtrunc.f32 v7;
	[tilespmem:v5+s19+$0x0] =	vst.idx.add.f32.msk $0xffff, v9  }
0x299: {  	v4 =	vand.u32 $0xFFFFFFF0, v4;
	v5 =	vmul.f32 v8, v3;
	v7 =	vcvt.f32.s32 v7;
	v8 =	vld [tilespmem:s0+$0x3860]  }
0x29a: {  	v4 =	vor.u32 v0, v4;
	v9 =	vld [tilespmem:s16+$0xA810]  }
0x29b: {  	s26 =	simm.s32 $0x500;
	s20 =	simm.s32 $0x280;
	v5 =	vadd.f32 v5, v2;
	v7 =	vand.u32 $0xFFFFFFF0, v7;
	[tilespmem:v6+s18+$0x0] =	vst.idx.add.f32.msk $0xffff, v1  }
0x29c: {  	s7 =	sand.u32 $0x3800, s26;
	s20 =	sand.u32 $0x380, s20;
	v7 =	vor.u32 v0, v7;
	[tilespmem:v6+s19+$0x0] =	vst.idx.add.f32.msk $0xffff, v11  }
0x29d: {  	s20 =	sor.u32 s20, s7;
	v5 =	vtrunc.f32 v5;
	v6 =	vld [tilespmem:s1+$0x3840]  }
0x29e: {  	v59 =	vld [tilespmem:s20+$0xA800];
	v5 =	vcvt.f32.s32 v5;
	v8 =	vmul.f32 v8, v3  }
0x29f: {  	[tilespmem:v4+s18+$0x0] =	vst.idx.add.f32.msk $0xffff, v1  }
0x2a0: {  	[tilespmem:v4+s19+$0x0] =	vst.idx.add.f32.msk $0xffff, v10;
	v4 =	vand.u32 $0xFFFFFFF0, v5;
	v5 =	vadd.f32 v8, v2  }
0x2a1: {  	[tilespmem:v7+s18+$0x0] =	vst.idx.add.f32.msk $0xffff, v1  }
0x2a2: {  	[tilespmem:v7+s19+$0x0] =	vst.idx.add.f32.msk $0xffff, v9;
	v6 =	vmul.f32 v6, v3;
	v5 =	vtrunc.f32 v5  }
0x2a3: {  	v4 =	vor.u32 v0, v4;
	v7 =	vld [tilespmem:s16+$0x3820];
	v5 =	vcvt.f32.s32 v5  }
0x2a4: {  	v8 =	vld [tilespmem:s31+$0xAC00];
	v6 =	vadd.f32 v6, v2  }
0x2a5: {  	v11 =	vld [tilespmem:s1+$0xA840];
	v5 =	vand.u32 $0xFFFFFFF0, v5  }
0x2a6: {  	v10 =	vld [tilespmem:s5+$0x3C10];
	v6 =	vtrunc.f32 v6;
	v5 =	vor.u32 v0, v5  }
0x2a7: {  	v9 =	vld [tilespmem:s0+$0xA860];
	v6 =	vcvt.f32.s32 v6  }
0x2a8: {  	[tilespmem:v4+s18+$0x0] =	vst.idx.add.f32.msk $0xffff, v1;
	v7 =	vmul.f32 v7, v3  }
0x2a9: {  	[tilespmem:v4+s19+$0x0] =	vst.idx.add.f32.msk $0xffff, v8;
	v4 =	vand.u32 $0xFFFFFFF0, v6  }
0x2aa: {  	v8 =	vld [tilespmem:s20+$0x3800];
	v7 =	vadd.f32 v7, v2;
	v4 =	vor.u32 v0, v4  }
0x2ab: {  	v10 =	vmul.f32 v10, v3;
	[tilespmem:v5+s18+$0x0] =	vst.idx.add.f32.msk $0xffff, v1  }
0x2ac: {  	v7 =	vtrunc.f32 v7;
	[tilespmem:v5+s19+$0x0] =	vst.idx.add.f32.msk $0xffff, v9  }
0x2ad: {  	v5 =	vcvt.f32.s32 v7;
	v9 =	vadd.f32 v10, v2;
	v7 =	vld [tilespmem:s0+$0x3870]  }
0x2ae: {  	v6 =	vld [tilespmem:s5+$0xAC10]  }
0x2af: {  	v8 =	vmul.f32 v8, v3;
	v5 =	vand.u32 $0xFFFFFFF0, v5;
	v9 =	vtrunc.f32 v9;
	[tilespmem:v4+s18+$0x0] =	vst.idx.add.f32.msk $0xffff, v1  }
0x2b0: {  	v5 =	vor.u32 v0, v5;
	[tilespmem:v4+s19+$0x0] =	vst.idx.add.f32.msk $0xffff, v11;
	v4 =	vcvt.f32.s32 v9  }
0x2b1: {  	v10 =	vld [tilespmem:s16+$0xA820];
	v8 =	vadd.f32 v8, v2  }
0x2b2: {  	v58 =	vld [tilespmem:s0+$0xA870];
	v7 =	vmul.f32 v7, v3;
	v4 =	vand.u32 $0xFFFFFFF0, v4  }
0x2b3: {  	v8 =	vtrunc.f32 v8;
	v11 =	vld [tilespmem:s1+$0x3850];
	v4 =	vor.u32 v0, v4  }
0x2b4: {  	v8 =	vcvt.f32.s32 v8;
	v9 =	vld [tilespmem:s1+$0xA850];
	v7 =	vadd.f32 v7, v2  }
0x2b5: {  	[tilespmem:v5+s18+$0x0] =	vst.idx.add.f32.msk $0xffff, v1  }
0x2b6: {  	v8 =	vand.u32 $0xFFFFFFF0, v8;
	[tilespmem:v5+s19+$0x0] =	vst.idx.add.f32.msk $0xffff, v10;
	v7 =	vtrunc.f32 v7  }
0x2b7: {  	v5 =	vor.u32 v0, v8;
	v8 =	vld [tilespmem:s16+$0x3830];
	v7 =	vcvt.f32.s32 v7  }
0x2b8: {  	v10 =	vmul.f32 v11, v3;
	[tilespmem:v4+s18+$0x0] =	vst.idx.add.f32.msk $0xffff, v1  }
0x2b9: {  	v7 =	vand.u32 $0xFFFFFFF0, v7;
	[tilespmem:v4+s19+$0x0] =	vst.idx.add.f32.msk $0xffff, v6  }
0x2ba: {  	v4 =	vadd.f32 v10, v2;
	v6 =	vor.u32 v0, v7;
	v7 =	vld [tilespmem:s5+$0x3C20]  }
0x2bb: {  	v61 =	vld [tilespmem:s16+$0xA830]  }
0x2bc: {  	[tilespmem:v5+s18+$0x0] =	vst.idx.add.f32.msk $0xffff, v1;
	v4 =	vtrunc.f32 v4;
	v8 =	vmul.f32 v8, v3  }
0x2bd: {  	[tilespmem:v5+s19+$0x0] =	vst.idx.add.f32.msk $0xffff, v59;
	v4 =	vcvt.f32.s32 v4  }
0x2be: {  	v5 =	vld [tilespmem:s20+$0x3810];
	v8 =	vadd.f32 v8, v2  }
0x2bf: {  	v4 =	vand.u32 $0xFFFFFFF0, v4;
	[tilespmem:v6+s18+$0x0] =	vst.idx.add.f32.msk $0xffff, v1;
	v7 =	vmul.f32 v7, v3  }
0x2c0: {  	v8 =	vtrunc.f32 v8;
	v4 =	vor.u32 v0, v4;
	[tilespmem:v6+s19+$0x0] =	vst.idx.add.f32.msk $0xffff, v58  }
0x2c1: {  	v6 =	vcvt.f32.s32 v8;
	v8 =	vld [tilespmem:s0+$0x3C00];
	v7 =	vadd.f32 v7, v2  }
0x2c2: {  	v10 =	vld [tilespmem:s5+$0xAC20]  }
0x2c3: {  	v60 =	vld [tilespmem:s20+$0xA810];
	v5 =	vmul.f32 v5, v3;
	v6 =	vand.u32 $0xFFFFFFF0, v6;
	v7 =	vtrunc.f32 v7  }
0x2c4: {  	v11 =	vld [tilespmem:s0+$0xAC00];
	v14 =	vor.u32 v0, v6;
	v6 =	vcvt.f32.s32 v7  }
0x2c5: {  	v5 =	vadd.f32 v5, v2;
	[tilespmem:v4+s18+$0x0] =	vst.idx.add.f32.msk $0xffff, v1  }
0x2c6: {  	[tilespmem:v4+s19+$0x0] =	vst.idx.add.f32.msk $0xffff, v9;
	v4 =	vmul.f32 v8, v3;
	v6 =	vand.u32 $0xFFFFFFF0, v6  }
0x2c7: {  	v5 =	vtrunc.f32 v5;
	v7 =	vld [tilespmem:s1+$0x3860];
	v8 =	vor.u32 v0, v6  }
0x2c8: {  	v5 =	vcvt.f32.s32 v5;
	v6 =	vld [tilespmem:s1+$0xA860];
	v4 =	vadd.f32 v4, v2  }
0x2c9: {  	[tilespmem:v14+s18+$0x0] =	vst.idx.add.f32.msk $0xffff, v1  }
0x2ca: {  	v5 =	vand.u32 $0xFFFFFFF0, v5;
	[tilespmem:v14+s19+$0x0] =	vst.idx.add.f32.msk $0xffff, v61;
	v4 =	vtrunc.f32 v4  }
0x2cb: {  	v5 =	vor.u32 v0, v5;
	v9 =	vld [tilespmem:s16+$0x3840];
	v4 =	vcvt.f32.s32 v4  }
0x2cc: {  	[tilespmem:v8+s18+$0x0] =	vst.idx.add.f32.msk $0xffff, v1  }
0x2cd: {  	v7 =	vmul.f32 v7, v3;
	v4 =	vand.u32 $0xFFFFFFF0, v4;
	[tilespmem:v8+s19+$0x0] =	vst.idx.add.f32.msk $0xffff, v10  }
0x2ce: {  	v62 =	vor.u32 v0, v4;
	v8 =	vld [tilespmem:s5+$0x3C30]  }
0x2cf: {  	v7 =	vadd.f32 v7, v2;
	v4 =	vld [tilespmem:s5+$0xAC30]  }
0x2d0: {  	[tilespmem:v5+s18+$0x0] =	vst.idx.add.f32.msk $0xffff, v1;
	v10 =	vmul.f32 v9, v3  }
0x2d1: {  	v7 =	vtrunc.f32 v7;
	[tilespmem:v5+s19+$0x0] =	vst.idx.add.f32.msk $0xffff, v60  }
0x2d2: {  	v5 =	vcvt.f32.s32 v7;
	v9 =	vld [tilespmem:s20+$0x3820];
	v7 =	vadd.f32 v10, v2  }
0x2d3: {  	[tilespmem:v62+s18+$0x0] =	vst.idx.add.f32.msk $0xffff, v1;
	v63 =	vmul.f32 v8, v3  }
0x2d4: {  	v5 =	vand.u32 $0xFFFFFFF0, v5;
	v8 =	vld [tilespmem:s16+$0xA840];
	v10 =	vtrunc.f32 v7  }
0x2d5: {  	s25 =	simm.s32 $0x600;
	s5 =	simm.s32 $0x300;
	v7 =	vor.u32 v0, v5;
	v10 =	vcvt.f32.s32 v10;
	[tilespmem:v62+s19+$0x0] =	vst.idx.add.f32.msk $0xffff, v11;
	v5 =	vadd.f32 v63, v2  }
.LBB2_5:
0x2d6: {  	s7 =	smov.u32 s25  }
0x2d7: {  	s26 =	sand.u32 $0x3800, s25;
	s8 =	sand.u32 $0x380, s5;
	v11 =	vld [tilespmem:s31+$0x3C10];
	s7 =	sadd.s32 $0x100, s25  }
0x2d8: {  	p1 =	sne.s32 s25, $0x3700;
	s26 =	sor.u32 s8, s26;
	v9 =	vmul.f32 v9, v3;
	v10 =	vand.u32 $0xFFFFFFF0, v10;
	v5 =	vtrunc.f32 v5;
	v12 =	vld [tilespmem:s31+$0xAC10]  }
0x2d9: {  	v10 =	vor.u32 v0, v10;
	v5 =	vcvt.f32.s32 v5;
	v13 =	vld [tilespmem:s26+$0x3800]  }
0x2da: {  	v9 =	vadd.f32 v9, v2;
	[tilespmem:v7+s18+$0x0] =	vst.idx.add.f32.msk $0xffff, v1  }
0x2db: {  	v5 =	vand.u32 $0xFFFFFFF0, v5;
	[tilespmem:v7+s19+$0x0] =	vst.idx.add.f32.msk $0xffff, v6  }
0x2dc: {  	v6 =	vtrunc.f32 v9;
	v9 =	vmul.f32 v11, v3;
	v5 =	vor.u32 v0, v5;
	v7 =	vld [tilespmem:s1+$0x3870]  }
0x2dd: {  	v6 =	vcvt.f32.s32 v6;
	v11 =	vld [tilespmem:s20+$0xA820]  }
0x2de: {  	v9 =	vadd.f32 v9, v2;
	v13 =	vmul.f32 v13, v3;
	[tilespmem:v10+s18+$0x0] =	vst.idx.add.f32.msk $0xffff, v1  }
0x2df: {  	v6 =	vand.u32 $0xFFFFFFF0, v6;
	[tilespmem:v10+s19+$0x0] =	vst.idx.add.f32.msk $0xffff, v8  }
0x2e0: {  	v6 =	vor.u32 v0, v6;
	v9 =	vtrunc.f32 v9;
	v8 =	vadd.f32 v13, v2;
	v10 =	vld [tilespmem:s16+$0xA850]  }
0x2e1: {  	v9 =	vcvt.f32.s32 v9;
	v7 =	vmul.f32 v7, v3;
	[tilespmem:v5+s18+$0x0] =	vst.idx.add.f32.msk $0xffff, v1  }
0x2e2: {  	v8 =	vtrunc.f32 v8;
	[tilespmem:v5+s19+$0x0] =	vst.idx.add.f32.msk $0xffff, v4  }
0x2e3: {  	v4 =	vcvt.f32.s32 v8;
	v5 =	vld [tilespmem:s16+$0x3850];
	v7 =	vadd.f32 v7, v2;
	v8 =	vand.u32 $0xFFFFFFF0, v9  }
0x2e4: {  	v9 =	vld [tilespmem:s1+$0xA870];
	v8 =	vor.u32 v0, v8  }
0x2e5: {  	v4 =	vand.u32 $0xFFFFFFF0, v4;
	[tilespmem:v6+s18+$0x0] =	vst.idx.add.f32.msk $0xffff, v1;
	v7 =	vtrunc.f32 v7  }
0x2e6: {  	v13 =	vld [tilespmem:s26+$0xA800];
	v4 =	vor.u32 v0, v4;
	v7 =	vcvt.f32.s32 v7  }
0x2e7: {  	[tilespmem:v6+s19+$0x0] =	vst.idx.add.f32.msk $0xffff, v11  }
0x2e8: {  	v6 =	vld [tilespmem:s20+$0x3830];
	v5 =	vmul.f32 v5, v3;
	v7 =	vand.u32 $0xFFFFFFF0, v7  }
0x2e9: {  	[tilespmem:v8+s18+$0x0] =	vst.idx.add.f32.msk $0xffff, v1  }
0x2ea: {  	v5 =	vadd.f32 v5, v2;
	[tilespmem:v8+s19+$0x0] =	vst.idx.add.f32.msk $0xffff, v12  }
0x2eb: {  	v7 =	vor.u32 v0, v7;
	v8 =	vld [tilespmem:s31+$0x3C20]  }
0x2ec: {  	v5 =	vtrunc.f32 v5;
	v11 =	vld [tilespmem:s31+$0xAC20]  }
0x2ed: {  	[tilespmem:v4+s18+$0x0] =	vst.idx.add.f32.msk $0xffff, v1;
	v6 =	vmul.f32 v6, v3;
	v5 =	vcvt.f32.s32 v5  }
0x2ee: {  	[tilespmem:v4+s19+$0x0] =	vst.idx.add.f32.msk $0xffff, v13  }
0x2ef: {  	v4 =	vld [tilespmem:s26+$0x3810];
	v6 =	vadd.f32 v6, v2;
	v5 =	vand.u32 $0xFFFFFFF0, v5  }
0x2f0: {  	[tilespmem:v7+s18+$0x0] =	vst.idx.add.f32.msk $0xffff, v1;
	v8 =	vmul.f32 v8, v3  }
0x2f1: {  	v5 =	vor.u32 v0, v5;
	v6 =	vtrunc.f32 v6;
	[tilespmem:v7+s19+$0x0] =	vst.idx.add.f32.msk $0xffff, v9  }
0x2f2: {  	v6 =	vcvt.f32.s32 v6;
	v7 =	vld [tilespmem:s1+$0x3C00];
	v8 =	vadd.f32 v8, v2  }
0x2f3: {  	v12 =	vld [tilespmem:s1+$0xAC00]  }
0x2f4: {  	v9 =	vld [tilespmem:s26+$0xA810];
	v4 =	vmul.f32 v4, v3;
	v6 =	vand.u32 $0xFFFFFFF0, v6;
	v8 =	vtrunc.f32 v8  }
0x2f5: {  	v13 =	vld [tilespmem:s20+$0xA830];
	v14 =	vor.u32 v0, v6;
	v6 =	vcvt.f32.s32 v8  }
0x2f6: {  	v4 =	vadd.f32 v4, v2;
	[tilespmem:v5+s18+$0x0] =	vst.idx.add.f32.msk $0xffff, v1  }
0x2f7: {  	[tilespmem:v5+s19+$0x0] =	vst.idx.add.f32.msk $0xffff, v10;
	v5 =	vmul.f32 v7, v3;
	v6 =	vand.u32 $0xFFFFFFF0, v6  }
0x2f8: {  	v4 =	vtrunc.f32 v4;
	v7 =	vld [tilespmem:s16+$0x3860];
	v8 =	vor.u32 v0, v6  }
0x2f9: {  	v4 =	vcvt.f32.s32 v4;
	v6 =	vld [tilespmem:s16+$0xA860];
	v5 =	vadd.f32 v5, v2  }
0x2fa: {  	[tilespmem:v14+s18+$0x0] =	vst.idx.add.f32.msk $0xffff, v1  }
0x2fb: {  	v4 =	vand.u32 $0xFFFFFFF0, v4;
	[tilespmem:v14+s19+$0x0] =	vst.idx.add.f32.msk $0xffff, v13;
	v5 =	vtrunc.f32 v5  }
0x2fc: {  	v10 =	vor.u32 v0, v4;
	v13 =	vld [tilespmem:s20+$0x3840];
	v4 =	vcvt.f32.s32 v5  }
0x2fd: {  	v5 =	vmul.f32 v7, v3;
	[tilespmem:v8+s18+$0x0] =	vst.idx.add.f32.msk $0xffff, v1  }
0x2fe: {  	v4 =	vand.u32 $0xFFFFFFF0, v4;
	[tilespmem:v8+s19+$0x0] =	vst.idx.add.f32.msk $0xffff, v11  }
0x2ff: {  	v5 =	vadd.f32 v5, v2;
	v11 =	vor.u32 v0, v4;
	v7 =	vld [tilespmem:s31+$0x3C30]  }
0x300: {  	v4 =	vld [tilespmem:s31+$0xAC30];
	s31 =	smov.u32 s0;
	s0 =	smov.u32 s1;
	s1 =	smov.u32 s16  }
0x301: {  	s16 =	smov.u32 s20;
	s20 =	smov.u32 s26;
	[tilespmem:v10+s18+$0x0] =	vst.idx.add.f32.msk $0xffff, v1;
	v8 =	vmul.f32 v13, v3;
	v5 =	vtrunc.f32 v5  }
.Ltmp3:
0x302: {  	[tilespmem:v10+s19+$0x0] =	vst.idx.add.f32.msk $0xffff, v9;
	v5 =	vcvt.f32.s32 v5;
	(pc) =	sbr.rel @p1 .LBB2_5-.Ltmp3, $4  }
0x303: {  	v9 =	vld [tilespmem:s20+$0x3820];
	v10 =	vadd.f32 v8, v2  }
0x304: {  	v5 =	vand.u32 $0xFFFFFFF0, v5;
	[tilespmem:v11+s18+$0x0] =	vst.idx.add.f32.msk $0xffff, v1;
	v13 =	vmul.f32 v7, v3  }
0x305: {  	v8 =	vld [tilespmem:s16+$0xA840];
	v10 =	vtrunc.f32 v10;
	v7 =	vor.u32 v0, v5  }
0x306: {  	s5 =	sadd.s32 $0x80, s5;
	s25 =	smov.u32 s7;
	v10 =	vcvt.f32.s32 v10;
	[tilespmem:v11+s19+$0x0] =	vst.idx.add.f32.msk $0xffff, v12;
	v5 =	vadd.f32 v13, v2  }
0x307: {  	_ = 	snop  }
0x308: {  	v9 =	vmul.f32 v9, v3;
	_ =	sdelay $0x1  }
0x309: {  	v9 =	vadd.f32 v9, v2;
	_ =	sdelay $0x1  }
0x30a: {  	v9 =	vtrunc.f32 v9  }
0x30b: {  	v9 =	vcvt.f32.s32 v9;
	_ =	sdelay $0x1  }
0x30c: {  	v9 =	vand.u32 $0xFFFFFFF0, v9  }
0x30d: {  	v9 =	vor.u32 v0, v9  }
0x30e: {  	v11 =	vld [tilespmem:s20+$0xA820];
	_ =	sdelay $0x3  }
0x30f: {  	[tilespmem:v9+s18+$0x0] =	vst.idx.add.f32.msk $0xffff, v1  }
0x310: {  	[tilespmem:v9+s19+$0x0] =	vst.idx.add.f32.msk $0xffff, v11  }
0x311: {  	v9 =	vld [tilespmem:s20+$0x3830];
	_ =	sdelay $0x4  }
0x312: {  	v9 =	vmul.f32 v9, v3;
	_ =	sdelay $0x1  }
0x313: {  	v9 =	vadd.f32 v9, v2;
	_ =	sdelay $0x1  }
0x314: {  	v9 =	vtrunc.f32 v9  }
0x315: {  	v9 =	vcvt.f32.s32 v9;
	_ =	sdelay $0x1  }
0x316: {  	v9 =	vand.u32 $0xFFFFFFF0, v9  }
0x317: {  	v9 =	vor.u32 v0, v9  }
0x318: {  	v11 =	vld [tilespmem:s20+$0xA830];
	_ =	sdelay $0x3  }
0x319: {  	[tilespmem:v9+s18+$0x0] =	vst.idx.add.f32.msk $0xffff, v1  }
0x31a: {  	[tilespmem:v9+s19+$0x0] =	vst.idx.add.f32.msk $0xffff, v11  }
0x31b: {  	v9 =	vld [tilespmem:s20+$0x3840];
	_ =	sdelay $0x4  }
0x31c: {  	v10 =	vand.u32 $0xFFFFFFF0, v10;
	v9 =	vmul.f32 v9, v3  }
0x31d: {  	v10 =	vor.u32 v0, v10  }
0x31e: {  	v9 =	vadd.f32 v9, v2;
	_ =	sdelay $0x1  }
0x31f: {  	v9 =	vtrunc.f32 v9  }
0x320: {  	v9 =	vcvt.f32.s32 v9  }
0x321: {  	[tilespmem:v10+s18+$0x0] =	vst.idx.add.f32.msk $0xffff, v1  }
0x322: {  	[tilespmem:v10+s19+$0x0] =	vst.idx.add.f32.msk $0xffff, v8;
	v53 =	vand.u32 $0xFFFFFFF0, v9  }
0x323: {  	v54 =	vld [tilespmem:s16+$0x3850];
	v8 =	vor.u32 v0, v53  }
0x324: {  	v55 =	vld [tilespmem:s20+$0xA840];
	_ =	sdelay $0x3  }
0x325: {  	[tilespmem:v8+s18+$0x0] =	vst.idx.add.f32.msk $0xffff, v1  }
0x326: {  	v9 =	vmul.f32 v54, v3;
	[tilespmem:v8+s19+$0x0] =	vst.idx.add.f32.msk $0xffff, v55  }
0x327: {  	v57 =	vld [tilespmem:s20+$0x3850]  }
0x328: {  	v56 =	vadd.f32 v9, v2;
	_ =	sdelay $0x1  }
0x329: {  	v8 =	vtrunc.f32 v56  }
0x32a: {  	v8 =	vcvt.f32.s32 v8  }
0x32b: {  	v9 =	vmul.f32 v57, v3  }
0x32c: {  	v8 =	vand.u32 $0xFFFFFFF0, v8  }
0x32d: {  	v8 =	vor.u32 v0, v8;
	v9 =	vadd.f32 v9, v2  }
0x32e: {  	v58 =	vld [tilespmem:s16+$0xA850]  }
0x32f: {  	v9 =	vtrunc.f32 v9  }
0x330: {  	v9 =	vcvt.f32.s32 v9;
	_ =	sdelay $0x1  }
0x331: {  	[tilespmem:v8+s18+$0x0] =	vst.idx.add.f32.msk $0xffff, v1;
	v59 =	vand.u32 $0xFFFFFFF0, v9  }
0x332: {  	[tilespmem:v8+s19+$0x0] =	vst.idx.add.f32.msk $0xffff, v58;
	v8 =	vor.u32 v0, v59  }
0x333: {  	v61 =	vld [tilespmem:s20+$0xA850];
	_ =	sdelay $0x2  }
0x334: {  	v60 =	vld [tilespmem:s16+$0x3860]  }
0x335: {  	[tilespmem:v8+s18+$0x0] =	vst.idx.add.f32.msk $0xffff, v1  }
0x336: {  	[tilespmem:v8+s19+$0x0] =	vst.idx.add.f32.msk $0xffff, v61  }
0x337: {  	v63 =	vld [tilespmem:s20+$0x3860];
	_ =	sdelay $0x1  }
0x338: {  	v9 =	vmul.f32 v60, v3;
	_ =	sdelay $0x1  }
0x339: {  	v62 =	vadd.f32 v9, v2  }
0x33a: {  	v9 =	vmul.f32 v63, v3  }
0x33b: {  	v8 =	vtrunc.f32 v62  }
0x33c: {  	v8 =	vcvt.f32.s32 v8;
	v9 =	vadd.f32 v9, v2  }
0x33d: {  	[tilespmem:v7+s18+$0x0] =	vst.idx.add.f32.msk $0xffff, v1  }
0x33e: {  	[tilespmem:v7+s19+$0x0] =	vst.idx.add.f32.msk $0xffff, v6;
	v8 =	vand.u32 $0xFFFFFFF0, v8;
	v13 =	vtrunc.f32 v9  }
0x33f: {  	v7 =	vld [tilespmem:s1+$0x3870];
	v8 =	vor.u32 v0, v8;
	v6 =	vcvt.f32.s32 v13  }
0x340: {  	v12 =	vld [tilespmem:s16+$0xA860]  }
0x341: {  	v6 =	vand.u32 $0xFFFFFFF0, v6  }
0x342: {  	v6 =	vor.u32 v0, v6  }
0x343: {  	v14 =	vld [tilespmem:s20+$0xA860]  }
0x344: {  	[tilespmem:v8+s18+$0x0] =	vst.idx.add.f32.msk $0xffff, v1  }
0x345: {  	v7 =	vmul.f32 v7, v3;
	[tilespmem:v8+s19+$0x0] =	vst.idx.add.f32.msk $0xffff, v12  }
0x346: {  	v8 =	vld [tilespmem:s16+$0x3870]  }
0x347: {  	v7 =	vadd.f32 v7, v2;
	[tilespmem:v6+s18+$0x0] =	vst.idx.add.f32.msk $0xffff, v1  }
0x348: {  	[tilespmem:v6+s19+$0x0] =	vst.idx.add.f32.msk $0xffff, v14  }
0x349: {  	v7 =	vtrunc.f32 v7;
	v17 =	vld [tilespmem:s20+$0x3870]  }
0x34a: {  	v15 =	vcvt.f32.s32 v7  }
0x34b: {  	v8 =	vmul.f32 v8, v3  }
0x34c: {  	v6 =	vand.u32 $0xFFFFFFF0, v15  }
0x34d: {  	v16 =	vadd.f32 v8, v2;
	v6 =	vor.u32 v0, v6  }
0x34e: {  	v18 =	vld [tilespmem:s1+$0xA870];
	v8 =	vmul.f32 v17, v3  }
0x34f: {  	v7 =	vtrunc.f32 v16  }
0x350: {  	v7 =	vcvt.f32.s32 v7;
	v8 =	vadd.f32 v8, v2;
	_ =	sdelay $0x1  }
0x351: {  	v7 =	vand.u32 $0xFFFFFFF0, v7;
	[tilespmem:v6+s18+$0x0] =	vst.idx.add.f32.msk $0xffff, v1;
	v19 =	vtrunc.f32 v8  }
0x352: {  	v7 =	vor.u32 v0, v7;
	[tilespmem:v6+s19+$0x0] =	vst.idx.add.f32.msk $0xffff, v18;
	v6 =	vcvt.f32.s32 v19  }
0x353: {  	v10 =	vld [tilespmem:s16+$0xA870]  }
0x354: {  	v6 =	vand.u32 $0xFFFFFFF0, v6  }
0x355: {  	v20 =	vld [tilespmem:s1+$0x3C00];
	v6 =	vor.u32 v0, v6  }
0x356: {  	v21 =	vld [tilespmem:s20+$0xA870]  }
0x357: {  	[tilespmem:v7+s18+$0x0] =	vst.idx.add.f32.msk $0xffff, v1  }
0x358: {  	[tilespmem:v7+s19+$0x0] =	vst.idx.add.f32.msk $0xffff, v10  }
0x359: {  	v7 =	vld [tilespmem:s16+$0x3C00]  }
0x35a: {  	v8 =	vmul.f32 v20, v3;
	[tilespmem:v6+s18+$0x0] =	vst.idx.add.f32.msk $0xffff, v1  }
0x35b: {  	[tilespmem:v6+s19+$0x0] =	vst.idx.add.f32.msk $0xffff, v21  }
0x35c: {  	v8 =	vadd.f32 v8, v2;
	v23 =	vld [tilespmem:s20+$0x3C00];
	_ =	sdelay $0x1  }
0x35d: {  	v7 =	vmul.f32 v7, v3;
	v22 =	vtrunc.f32 v8  }
0x35e: {  	v6 =	vcvt.f32.s32 v22  }
0x35f: {  	v24 =	vld [tilespmem:s31+$0x3C10];
	v7 =	vadd.f32 v7, v2  }
0x360: {  	v6 =	vand.u32 $0xFFFFFFF0, v6;
	v8 =	vmul.f32 v23, v3  }
0x361: {  	v7 =	vtrunc.f32 v7;
	v6 =	vor.u32 v0, v6  }
0x362: {  	v25 =	vld [tilespmem:s1+$0xAC00];
	v7 =	vcvt.f32.s32 v7;
	v8 =	vadd.f32 v8, v2  }
0x363: {  	v26 =	vld [tilespmem:s0+$0x3C10]  }
0x364: {  	v33 =	vld [tilespmem:s31+$0xAC10];
	v9 =	vmul.f32 v24, v3;
	v7 =	vand.u32 $0xFFFFFFF0, v7;
	v8 =	vtrunc.f32 v8  }
0x365: {  	v12 =	vld [tilespmem:s16+$0xAC00];
	v7 =	vor.u32 v0, v7;
	v27 =	vcvt.f32.s32 v8  }
0x366: {  	v9 =	vadd.f32 v9, v2;
	[tilespmem:v6+s18+$0x0] =	vst.idx.add.f32.msk $0xffff, v1  }
0x367: {  	[tilespmem:v6+s19+$0x0] =	vst.idx.add.f32.msk $0xffff, v25;
	v6 =	vand.u32 $0xFFFFFFF0, v27  }
0x368: {  	v9 =	vtrunc.f32 v9;
	v31 =	vld [tilespmem:s20+$0xAC00];
	v6 =	vor.u32 v0, v6  }
0x369: {  	v9 =	vcvt.f32.s32 v9;
	v28 =	vld [tilespmem:s1+$0x3C10]  }
0x36a: {  	v29 =	vmul.f32 v26, v3;
	[tilespmem:v7+s18+$0x0] =	vst.idx.add.f32.msk $0xffff, v1  }
0x36b: {  	v9 =	vand.u32 $0xFFFFFFF0, v9;
	[tilespmem:v7+s19+$0x0] =	vst.idx.add.f32.msk $0xffff, v12  }
0x36c: {  	v30 =	vadd.f32 v29, v2;
	v9 =	vor.u32 v0, v9;
	v32 =	vld [tilespmem:s16+$0x3C10]  }
0x36d: {  	[tilespmem:v6+s18+$0x0] =	vst.idx.add.f32.msk $0xffff, v1  }
0x36e: {  	v7 =	vtrunc.f32 v30;
	v8 =	vmul.f32 v28, v3;
	[tilespmem:v6+s19+$0x0] =	vst.idx.add.f32.msk $0xffff, v31  }
0x36f: {  	v7 =	vcvt.f32.s32 v7;
	v10 =	vld [tilespmem:s20+$0x3C10]  }
0x370: {  	v37 =	vld [tilespmem:s0+$0xAC10];
	v8 =	vadd.f32 v8, v2  }
0x371: {  	[tilespmem:v9+s18+$0x0] =	vst.idx.add.f32.msk $0xffff, v1;
	v7 =	vand.u32 $0xFFFFFFF0, v7;
	v36 =	vmul.f32 v32, v3  }
0x372: {  	[tilespmem:v9+s19+$0x0] =	vst.idx.add.f32.msk $0xffff, v33;
	v34 =	vor.u32 v0, v7;
	v35 =	vtrunc.f32 v8  }
0x373: {  	v9 =	vld [tilespmem:s31+$0x3C20];
	v8 =	vadd.f32 v36, v2;
	v7 =	vcvt.f32.s32 v35  }
0x374: {  	v44 =	vld [tilespmem:s31+$0xAC20];
	v10 =	vmul.f32 v10, v3  }
0x375: {  	v38 =	vld [tilespmem:s1+$0xAC10];
	v8 =	vtrunc.f32 v8;
	v7 =	vand.u32 $0xFFFFFFF0, v7  }
0x376: {  	v42 =	vld [tilespmem:s16+$0xAC10];
	v8 =	vcvt.f32.s32 v8;
	v7 =	vor.u32 v0, v7;
	v40 =	vadd.f32 v10, v2  }
0x377: {  	[tilespmem:v34+s18+$0x0] =	vst.idx.add.f32.msk $0xffff, v1  }
0x378: {  	v9 =	vmul.f32 v9, v3;
	[tilespmem:v34+s19+$0x0] =	vst.idx.add.f32.msk $0xffff, v37;
	v39 =	vand.u32 $0xFFFFFFF0, v8;
	v8 =	vtrunc.f32 v40  }
0x379: {  	v41 =	vld [tilespmem:s0+$0x3C20];
	v6 =	vor.u32 v0, v39;
	v8 =	vcvt.f32.s32 v8  }
0x37a: {  	v9 =	vadd.f32 v9, v2;
	v43 =	vld [tilespmem:s20+$0xAC10]  }
0x37b: {  	[tilespmem:v7+s18+$0x0] =	vst.idx.add.f32.msk $0xffff, v1;
	v8 =	vand.u32 $0xFFFFFFF0, v8  }
0x37c: {  	v9 =	vtrunc.f32 v9;
	[tilespmem:v7+s19+$0x0] =	vst.idx.add.f32.msk $0xffff, v38;
	v8 =	vor.u32 v0, v8  }
0x37d: {  	v9 =	vcvt.f32.s32 v9;
	v7 =	vld [tilespmem:s1+$0x3C20]  }
0x37e: {  	[tilespmem:v6+s18+$0x0] =	vst.idx.add.f32.msk $0xffff, v1  }
0x37f: {  	v9 =	vand.u32 $0xFFFFFFF0, v9;
	v10 =	vmul.f32 v41, v3;
	[tilespmem:v6+s19+$0x0] =	vst.idx.add.f32.msk $0xffff, v42  }
0x380: {  	v9 =	vor.u32 v0, v9;
	v11 =	vld [tilespmem:s16+$0x3C20]  }
0x381: {  	v10 =	vadd.f32 v10, v2;
	[tilespmem:v8+s18+$0x0] =	vst.idx.add.f32.msk $0xffff, v1  }
0x382: {  	v7 =	vmul.f32 v7, v3;
	[tilespmem:v8+s19+$0x0] =	vst.idx.add.f32.msk $0xffff, v43  }
0x383: {  	v10 =	vtrunc.f32 v10;
	v46 =	vld [tilespmem:s20+$0x3C20]  }
0x384: {  	v10 =	vcvt.f32.s32 v10;
	v7 =	vadd.f32 v7, v2  }
0x385: {  	[tilespmem:v9+s18+$0x0] =	vst.idx.add.f32.msk $0xffff, v1;
	v11 =	vmul.f32 v11, v3  }
0x386: {  	[tilespmem:v9+s19+$0x0] =	vst.idx.add.f32.msk $0xffff, v44;
	v45 =	vand.u32 $0xFFFFFFF0, v10;
	v7 =	vtrunc.f32 v7  }
0x387: {  	v9 =	vld [tilespmem:s31+$0x3C30];
	v49 =	vadd.f32 v11, v2;
	v8 =	vor.u32 v0, v45;
	v7 =	vcvt.f32.s32 v7  }
0x388: {  	v47 =	vld [tilespmem:s0+$0xAC20];
	v10 =	vmul.f32 v46, v3  }
0x389: {  	v50 =	vld [tilespmem:s1+$0xAC20];
	v48 =	vand.u32 $0xFFFFFFF0, v7;
	v7 =	vtrunc.f32 v49  }
0x38a: {  	v51 =	vld [tilespmem:s16+$0xAC20];
	v6 =	vor.u32 v0, v48;
	v7 =	vcvt.f32.s32 v7;
	v10 =	vadd.f32 v10, v2  }
0x38b: {  	v54 =	vld [tilespmem:s20+$0xAC20]  }
0x38c: {  	[tilespmem:v8+s18+$0x0] =	vst.idx.add.f32.msk $0xffff, v1;
	v7 =	vand.u32 $0xFFFFFFF0, v7;
	v10 =	vtrunc.f32 v10  }
0x38d: {  	[tilespmem:v8+s19+$0x0] =	vst.idx.add.f32.msk $0xffff, v47;
	v7 =	vor.u32 v0, v7;
	v10 =	vcvt.f32.s32 v10  }
0x38e: {  	v8 =	vld [tilespmem:s0+$0x3C30]  }
0x38f: {  	[tilespmem:v6+s18+$0x0] =	vst.idx.add.f32.msk $0xffff, v1;
	v52 =	vand.u32 $0xFFFFFFF0, v10  }
0x390: {  	v9 =	vmul.f32 v9, v3;
	[tilespmem:v6+s19+$0x0] =	vst.idx.add.f32.msk $0xffff, v50;
	v6 =	vor.u32 v0, v52  }
0x391: {  	v5 =	vtrunc.f32 v5;
	v53 =	vld [tilespmem:s1+$0x3C30]  }
0x392: {  	v5 =	vcvt.f32.s32 v5;
	v9 =	vadd.f32 v9, v2;
	[tilespmem:v7+s18+$0x0] =	vst.idx.add.f32.msk $0xffff, v1  }
0x393: {  	[tilespmem:v7+s19+$0x0] =	vst.idx.add.f32.msk $0xffff, v51  }
0x394: {  	v5 =	vand.u32 $0xFFFFFFF0, v5;
	v9 =	vtrunc.f32 v9;
	v8 =	vmul.f32 v8, v3;
	v7 =	vld [tilespmem:s16+$0x3C30]  }
0x395: {  	v5 =	vor.u32 v0, v5;
	v9 =	vcvt.f32.s32 v9;
	[tilespmem:v6+s18+$0x0] =	vst.idx.add.f32.msk $0xffff, v1  }
0x396: {  	v8 =	vadd.f32 v8, v2;
	v56 =	vmul.f32 v53, v3;
	[tilespmem:v6+s19+$0x0] =	vst.idx.add.f32.msk $0xffff, v54  }
0x397: {  	v9 =	vand.u32 $0xFFFFFFF0, v9;
	v57 =	vld [tilespmem:s20+$0x3C30]  }
0x398: {  	v9 =	vor.u32 v0, v9;
	v55 =	vtrunc.f32 v8;
	v8 =	vadd.f32 v56, v2  }
0x399: {  	v58 =	vld [tilespmem:s31+$0xAC30]  }
0x39a: {  	[tilespmem:v5+s18+$0x0] =	vst.idx.add.f32.msk $0xffff, v1;
	v7 =	vmul.f32 v7, v3;
	v8 =	vtrunc.f32 v8  }
0x39b: {  	[tilespmem:v5+s19+$0x0] =	vst.idx.add.f32.msk $0xffff, v4;
	v6 =	vcvt.f32.s32 v55;
	v4 =	vcvt.f32.s32 v8  }
0x39c: {  	v5 =	vadd.f32 v7, v2;
	v59 =	vmul.f32 v57, v3  }
0x39d: {  	[tilespmem:v9+s18+$0x0] =	vst.idx.add.f32.msk $0xffff, v1;
	v6 =	vand.u32 $0xFFFFFFF0, v6;
	v4 =	vand.u32 $0xFFFFFFF0, v4  }
0x39e: {  	[tilespmem:v9+s19+$0x0] =	vst.idx.add.f32.msk $0xffff, v58;
	v5 =	vtrunc.f32 v5;
	v6 =	vor.u32 v0, v6;
	v7 =	vadd.f32 v59, v2  }
0x39f: {  	v60 =	vld [tilespmem:s0+$0xAC30];
	v4 =	vor.u32 v0, v4;
	v5 =	vcvt.f32.s32 v5  }
0x3a0: {  	v61 =	vld [tilespmem:s1+$0xAC30];
	v7 =	vtrunc.f32 v7  }
0x3a1: {  	v62 =	vld [tilespmem:s16+$0xAC30];
	v5 =	vand.u32 $0xFFFFFFF0, v5;
	v7 =	vcvt.f32.s32 v7  }
0x3a2: {  	v63 =	vld [tilespmem:s20+$0xAC30];
	v5 =	vor.u32 v0, v5  }
0x3a3: {  	[tilespmem:v6+s18+$0x0] =	vst.idx.add.f32.msk $0xffff, v1;
	v7 =	vand.u32 $0xFFFFFFF0, v7  }
0x3a4: {  	[tilespmem:v4+s18+$0x0] =	vst.idx.add.f32.msk $0xffff, v1;
	v7 =	vor.u32 v0, v7  }
0x3a5: {  	[tilespmem:v6+s19+$0x0] =	vst.idx.add.f32.msk $0xffff, v60  }
.Ltmp4:
0x3a6: {  	[tilespmem:v4+s19+$0x0] =	vst.idx.add.f32.msk $0xffff, v61;
	(pc) =	sbr.rel @p0 .LBB2_8-.Ltmp4, $4  }
0x3a7: {  	[tilespmem:v5+s18+$0x0] =	vst.idx.add.f32.msk $0xffff, v1  }
0x3a8: {  	[tilespmem:v5+s19+$0x0] =	vst.idx.add.f32.msk $0xffff, v62  }
0x3a9: {  	[tilespmem:v7+s18+$0x0] =	vst.idx.add.f32.msk $0xffff, v1  }
0x3aa: {  	[tilespmem:v7+s19+$0x0] =	vst.idx.add.f32.msk $0xffff, v63  }
0x3ab: {  	s0 =	sadd.s32 s30, s12  }
0x3ac: {  	s0 =	smul.u32 $0x700, s0  }
.Ltmp5:
0x3ad: {  	_ = 	snop;
	(pc) =	sbr.rel .LBB2_2-.Ltmp5, $4  }
0x3ae: {  	s1 =	sadd.s32 s2, s0  }
0x3af: {  	[tilespmem:s21], [sflag:$0x2] =	stream.linear.gather [hbm4b:s1+s3], $0x3800, $0x38;
	[tilespmem:$0x12D00] =	vst v63  }
0x3b0: {  	s29 =	sadd.s32 $0x1, s29;
	s0 =	sadd.s32 s4, s0  }
0x3b1: {  	[tilespmem:s22], [sflag:$0x2] =	stream.linear.gather [hbm4b:s0+s3], $0x3800, $0x38;
	[tilespmem:$0x12D00] =	vst v63  }
.LBB2_9:
0x3b2: {  	_ =	sfence.sel $0x180000  }
0x3b3: {  	[bflag:$0x0] =	sbarrier.arrive $0xFFFF  }
0x3b4: {  	_ =	strace $0x90000047  }
0x3b5: {  	s0 =	stileid.u32;
	[bflag:$0x2] =	sbarrier.arrive $0xFFFF  }
0x3b6: {  	p0 =	sne.s32 s0, $0x0;
	s0 =	rddreg [dreg:$0x2]  }
0x3b7: {  	s0 =	sadd.s32 @!p0 $0x100000, s0  }
0x3b8: {  	[sflag:s0] =	ssyncadd.tile.s32 @!p0 $0x1;
	_ =	shalt  }
.Lfunc_end2:
_tile_overlayer_lowered:
.L_overlay_start_2:
0x3b9: {  	(tag) =	ssettag $0x2  }
0x3ba: {  	s0 =	rddreg [dreg:$0x0];
	s2 =	stileid.u32  }
0x3bb: {  	s1 =	rddreg [dreg:$0x1];
	p0 =	sne.s32 s2, $0x0  }
0x3bc: {  	s3 =	rddreg [dreg:$0x2];
	[bflag:$0x3] =	sbarrier.arrive $0xFFFF;
	s2 =	simm.s32 @!p0 $0x1C03  }
0x3bd: {  	[timem:s3], [sflag:s2] =	dma.local @!p0 [hbm:s0], s1  }
0x3be: {  	s0 =	simm.s32 @!p0 $0x3  }
0x3bf: {  	_ =	swait.ge @!p0 [sflag:s0], s1  }
0x3c0: {  	s1 =	ssub.s32 @!p0 $0x0, s1;
	[sflag:s0] =	ssyncset.done @!p0 $0x0  }
0x3c1: {  	[sflag:s0] =	ssyncadd.s32 @!p0 s1  }
0x3c2: {  	[bflag:$0x3] =	sbarrier.arrive $0xFFFF  }
0x3c3: {  	_ =	shalt  }

</sc_bundles>
